<compile_context>
chip_gen: v7x
topology: tpu7x:2x2x1
jax: 0.10.2.dev20260603
libtpu: 0.0.44.dev20260713+nightly
codegen_flags: <defaults>
</compile_context>

<pallas_src>
import jax
import jax.numpy as jnp
from jax import lax
from jax.experimental import pallas as pl
from jax.experimental.pallas import tpu as pltpu
from jax.experimental.pallas import tpu_sc as plsc

BATCH = 4096
SEQ = 50
EMBED = 64
PADW = 128
LANES = 16
NGROUP = EMBED // LANES

NC, NS = 2, 16
NW = NC * NS
ROWS_W = BATCH // NW
CB = 2
CHUNK_TOK = CB * SEQ
NCHUNK = ROWS_W // CB
TOK_W = ROWS_W * SEQ
NBUF = 4


def _body(idx_hbm, mask_hbm, table_hbm, out_hbm, idx_v, mask_v, rows0, rows1,
          rows2, rows3, out_v, sem0, sem1, sem2, sem3):
    wid = lax.axis_index("s") * NC + lax.axis_index("c")
    rows_b = (rows0, rows1, rows2, rows3)
    sems = (sem0, sem1, sem2, sem3)

    pltpu.sync_copy(idx_hbm.at[pl.ds(wid * NCHUNK, NCHUNK), :], idx_v)
    pltpu.sync_copy(mask_hbm.at[pl.ds(wid * TOK_W, TOK_W)],
                    mask_v.at[pl.ds(0, TOK_W)])

    def start(g, b):
        pltpu.make_async_copy(
            table_hbm.at[idx_v.at[g]], rows_b[b], sems[b]).start()

    def compute(g, b):
        rows = rows_b[b]
        zero = jnp.zeros((LANES,), jnp.float32)

        def s_step(s, acc_all):
            new = []
            for j in range(CB):
                a = acc_all[j]
                tok = g * CHUNK_TOK + j * SEQ + s
                m = mask_v[pl.ds(tok, LANES)][0]
                r = j * SEQ + s
                vals = [a[k] + rows[r, pl.ds(k * LANES, LANES)] * m
                        for k in range(NGROUP)]
                vals.append(a[NGROUP] + m)
                new.append(tuple(vals))
            return tuple(new)

        init = tuple(tuple(zero for _ in range(NGROUP)) + (jnp.float32(0.0),)
                     for _ in range(CB))
        acc_all = lax.fori_loop(0, SEQ, s_step, init)
        for j in range(CB):
            denom = jnp.broadcast_to(
                jnp.maximum(acc_all[j][NGROUP], 1.0), (LANES,))
            for k in range(NGROUP):
                out_v[g * CB + j, pl.ds(k * LANES, LANES)] = (
                    acc_all[j][k] / denom)

    for b in range(NBUF):
        start(b, b)

    def tb(t, carry):
        for b in range(NBUF):
            g = NBUF * t + b
            pltpu.make_async_copy(
                table_hbm.at[idx_v.at[g]], rows_b[b], sems[b]).wait()
            compute(g, b)

            @pl.when(g + NBUF < NCHUNK)
            def _():
                start(g + NBUF, b)
        return carry

    lax.fori_loop(0, NCHUNK // NBUF, tb, 0)

    pltpu.sync_copy(out_v, out_hbm.at[pl.ds(wid * ROWS_W, ROWS_W), :])


@jax.jit
def _embed(idx2, maskf, table2):
    mesh = plsc.VectorSubcoreMesh(core_axis_name="c", subcore_axis_name="s")
    f = pl.kernel(
        _body,
        out_type=jax.ShapeDtypeStruct((BATCH, EMBED), jnp.float32),
        mesh=mesh,
        scratch_types=[
            pltpu.VMEM((NCHUNK, CHUNK_TOK), jnp.int32),
            pltpu.VMEM((TOK_W + LANES,), jnp.float32),
            pltpu.VMEM((CHUNK_TOK, PADW), jnp.float32),
            pltpu.VMEM((CHUNK_TOK, PADW), jnp.float32),
            pltpu.VMEM((CHUNK_TOK, PADW), jnp.float32),
            pltpu.VMEM((CHUNK_TOK, PADW), jnp.float32),
            pltpu.VMEM((ROWS_W, EMBED), jnp.float32),
            pltpu.SemaphoreType.DMA,
            pltpu.SemaphoreType.DMA,
            pltpu.SemaphoreType.DMA,
            pltpu.SemaphoreType.DMA,
        ],
        compiler_params=pltpu.CompilerParams(use_tc_tiling_on_sc=False),
    )
    return f(idx2, maskf, table2)


def kernel(token_indices, mask, embedding_table):
    idx2 = token_indices.reshape(BATCH // CB, CHUNK_TOK)
    maskf = mask.reshape(-1)
    table2 = jnp.pad(embedding_table, ((0, 0), (0, PADW - EMBED)))
    return _embed(idx2, maskf, table2)

# --- scband reference (transcript-rebuilt; emitter-appended) ---
"""Pipeline reference for scband-average-utterance-embedder-2834678415623 (READ-ONLY COPY).

The authoritative reference and input builder live on the scoring server;
editing this copy changes nothing except your own understanding.
"""

import jax, jax.numpy as jnp
import numpy as np

VOCAB = 1000000
EMBED_DIM = 64
BATCH = 4096
SEQ = 50

def setup_inputs(seed: int = 0) -> dict:
    key = jax.random.key(seed)
    k1, k2 = jax.random.split(key, 2)
    token_indices = jax.random.randint(k1, (BATCH, SEQ), 0, VOCAB, dtype=jnp.int64 if jax.config.jax_enable_x64 else jnp.int32).astype(jnp.int32)
    mask = jnp.ones((BATCH, SEQ), dtype=jnp.float32)
    embedding_table = jax.random.normal(k2, (VOCAB, EMBED_DIM), dtype=jnp.float32)
    return {"token_indices": token_indices, "mask": mask, "embedding_table": embedding_table}

def reference(token_indices, mask, embedding_table):
    # SequenceBatch.from_sequences -> token_indices (int) + mask (float)
    # embed_seq_batch -> gather rows of the embedding table
    token_embeds = jnp.take(embedding_table, token_indices, axis=0)  # [B, S, D]
    # SequenceBatch.reduce_mean: masked mean over the sequence dimension
    masked = token_embeds * mask[:, :, None]
    denom = jnp.maximum(jnp.sum(mask, axis=1, keepdims=True), 1.0)
    averaged = jnp.sum(masked, axis=1) / denom  # [B, D]
    return averaged

if __name__ == "__main__":
    import jax
    _d = setup_inputs()
    print(jax.jit(kernel)(*tuple(_d.values())))

</pallas_src>

<mosaic_0001>
#map = affine_map<(d0, d1) -> (0, 0)>
#map1 = affine_map<(d0, d1) -> (0)>
module attributes {stable_mosaic.version = 14 : i64} {
  func.func @_body(%arg0: i32, %arg1: i32, %arg2: memref<2048x100xi32, #tpu.memory_space<hbm>>, %arg3: memref<204800xf32, #tpu.memory_space<hbm>>, %arg4: memref<1000000x128xf32, #tpu.memory_space<hbm>>, %arg5: memref<4096x64xf32, #tpu.memory_space<hbm>>, %arg6: memref<64x100xi32, #tpu.memory_space<vmem>>, %arg7: memref<6416xf32, #tpu.memory_space<vmem>>, %arg8: memref<100x128xf32, #tpu.memory_space<vmem>>, %arg9: memref<100x128xf32, #tpu.memory_space<vmem>>, %arg10: memref<100x128xf32, #tpu.memory_space<vmem>>, %arg11: memref<100x128xf32, #tpu.memory_space<vmem>>, %arg12: memref<128x64xf32, #tpu.memory_space<vmem>>, %arg13: memref<!tpu.dma_semaphore, #tpu.memory_space<semaphore_mem>>, %arg14: memref<!tpu.dma_semaphore, #tpu.memory_space<semaphore_mem>>, %arg15: memref<!tpu.dma_semaphore, #tpu.memory_space<semaphore_mem>>, %arg16: memref<!tpu.dma_semaphore, #tpu.memory_space<semaphore_mem>>) attributes {dimension_semantics = [#tpu.dimension_semantics<core_parallel>, #tpu.dimension_semantics<subcore_parallel>], iteration_bounds = array<i64: 2, 16>, scalar_prefetch = 0 : i64, scratch_operands = 11 : i64, tpu.core_type = #tpu.core_type<sc_vector_subcore>, window_params = [{transform_indices = #map}, {transform_indices = #map1}, {transform_indices = #map}, {transform_indices = #map}]} {
    %mul3A = arith.constant 2 : i32
    %mul3A_0 = arith.muli %arg1, %mul3A : i32
    %add3A = arith.addi %mul3A_0, %arg0 : i32
    %mul3A_1 = arith.constant 64 : i32
    %mul3A_2 = arith.muli %add3A, %mul3A_1 : i32
    "tpu.region"() ({
      %run_scoped3A = tpu.sem_alloc : memref<!tpu.dma_semaphore, #tpu.memory_space<semaphore_mem>>
      %dma_start3A_39 = arith.constant 0 : i32
      %dma_start3A_40 = tpu.memref_slice %arg2[%mul3A_2, %dma_start3A_39] : memref<2048x100xi32, #tpu.memory_space<hbm>> -> memref<64x100xi32, #tpu.memory_space<hbm>>
      %dma_start3A_41 = arith.constant 0 : i32
      %dma_start3A_42 = tpu.memref_slice %arg2[%mul3A_2, %dma_start3A_41] : memref<2048x100xi32, #tpu.memory_space<hbm>> -> memref<64x100xi32, #tpu.memory_space<hbm>>
      tpu.enqueue_dma source(%dma_start3A_42 : memref<64x100xi32, #tpu.memory_space<hbm>>) target(%arg6 : memref<64x100xi32, #tpu.memory_space<vmem>>) target_semaphore(%run_scoped3A : memref<!tpu.dma_semaphore, #tpu.memory_space<semaphore_mem>>)
      %dma_wait3A = arith.constant 0 : i32
      %dma_wait3A_43 = tpu.memref_slice %arg2[%mul3A_2, %dma_wait3A] : memref<2048x100xi32, #tpu.memory_space<hbm>> -> memref<64x100xi32, #tpu.memory_space<hbm>>
      %dma_wait3A_44 = arith.constant 0 : i32
      %dma_wait3A_45 = tpu.memref_slice %arg2[%mul3A_2, %dma_wait3A_44] : memref<2048x100xi32, #tpu.memory_space<hbm>> -> memref<64x100xi32, #tpu.memory_space<hbm>>
      tpu.wait_dma2 semaphore(%run_scoped3A : memref<!tpu.dma_semaphore, #tpu.memory_space<semaphore_mem>>) src(%dma_wait3A_45 : memref<64x100xi32, #tpu.memory_space<hbm>>) dst(%arg6 : memref<64x100xi32, #tpu.memory_space<vmem>>)
      tpu.yield
    }) : () -> ()
    %mul3A_3 = arith.constant 6400 : i32
    %mul3A_4 = arith.muli %add3A, %mul3A_3 : i32
    "tpu.region"() ({
      %run_scoped3A = tpu.sem_alloc : memref<!tpu.dma_semaphore, #tpu.memory_space<semaphore_mem>>
      %dma_start3A_39 = arith.constant 0 : i32
      %dma_start3A_40 = tpu.memref_slice %arg7[%dma_start3A_39] : memref<6416xf32, #tpu.memory_space<vmem>> -> memref<6400xf32, #tpu.memory_space<vmem>>
      %dma_start3A_41 = tpu.memref_slice %arg3[%mul3A_4] : memref<204800xf32, #tpu.memory_space<hbm>> -> memref<6400xf32, #tpu.memory_space<hbm>>
      %dma_start3A_42 = arith.constant 0 : i32
      %dma_start3A_43 = tpu.memref_slice %arg7[%dma_start3A_42] : memref<6416xf32, #tpu.memory_space<vmem>> -> memref<6400xf32, #tpu.memory_space<vmem>>
      %dma_start3A_44 = tpu.memref_slice %arg3[%mul3A_4] : memref<204800xf32, #tpu.memory_space<hbm>> -> memref<6400xf32, #tpu.memory_space<hbm>>
      tpu.enqueue_dma source(%dma_start3A_44 : memref<6400xf32, #tpu.memory_space<hbm>>) target(%dma_start3A_43 : memref<6400xf32, #tpu.memory_space<vmem>>) target_semaphore(%run_scoped3A : memref<!tpu.dma_semaphore, #tpu.memory_space<semaphore_mem>>)
      %dma_wait3A = arith.constant 0 : i32
      %dma_wait3A_45 = tpu.memref_slice %arg7[%dma_wait3A] : memref<6416xf32, #tpu.memory_space<vmem>> -> memref<6400xf32, #tpu.memory_space<vmem>>
      %dma_wait3A_46 = tpu.memref_slice %arg3[%mul3A_4] : memref<204800xf32, #tpu.memory_space<hbm>> -> memref<6400xf32, #tpu.memory_space<hbm>>
      %dma_wait3A_47 = arith.constant 0 : i32
      %dma_wait3A_48 = tpu.memref_slice %arg7[%dma_wait3A_47] : memref<6416xf32, #tpu.memory_space<vmem>> -> memref<6400xf32, #tpu.memory_space<vmem>>
      %dma_wait3A_49 = tpu.memref_slice %arg3[%mul3A_4] : memref<204800xf32, #tpu.memory_space<hbm>> -> memref<6400xf32, #tpu.memory_space<hbm>>
      tpu.wait_dma2 semaphore(%run_scoped3A : memref<!tpu.dma_semaphore, #tpu.memory_space<semaphore_mem>>) src(%dma_wait3A_49 : memref<6400xf32, #tpu.memory_space<hbm>>) dst(%dma_wait3A_48 : memref<6400xf32, #tpu.memory_space<vmem>>)
      tpu.yield
    }) : () -> ()
    %dma_start3A = arith.constant 0 : i32
    %dma_start3A_5 = arith.constant 0 : i32
    %dma_start3A_6 = tpu.memref_slice %arg6[%dma_start3A, %dma_start3A_5] : memref<64x100xi32, #tpu.memory_space<vmem>> -> memref<1x100xi32, #tpu.memory_space<vmem>>
    %dma_start3A_7 = tpu.memref_squeeze %dma_start3A_6 : memref<1x100xi32, #tpu.memory_space<vmem>> -> memref<100xi32, #tpu.memory_space<vmem>>
    %dma_start3A_8 = arith.constant 0 : i32
    %dma_start3A_9 = arith.constant 0 : i32
    %dma_start3A_10 = tpu.memref_slice %arg4[%dma_start3A_8, %dma_start3A_9] : memref<1000000x128xf32, #tpu.memory_space<hbm>> -> memref<1000000x128xf32, #tpu.memory_space<hbm>>
    tpu.enqueue_indirect_dma source(%dma_start3A_10 : memref<1000000x128xf32, #tpu.memory_space<hbm>>) target(%arg8 : memref<100x128xf32, #tpu.memory_space<vmem>>) offsets(%dma_start3A_7 : memref<100xi32, #tpu.memory_space<vmem>>) semaphore(%arg13 : memref<!tpu.dma_semaphore, #tpu.memory_space<semaphore_mem>>)
    %dma_start3A_11 = arith.constant 1 : i32
    %dma_start3A_12 = arith.constant 0 : i32
    %dma_start3A_13 = tpu.memref_slice %arg6[%dma_start3A_11, %dma_start3A_12] : memref<64x100xi32, #tpu.memory_space<vmem>> -> memref<1x100xi32, #tpu.memory_space<vmem>>
    %dma_start3A_14 = tpu.memref_squeeze %dma_start3A_13 : memref<1x100xi32, #tpu.memory_space<vmem>> -> memref<100xi32, #tpu.memory_space<vmem>>
    %dma_start3A_15 = arith.constant 0 : i32
    %dma_start3A_16 = arith.constant 0 : i32
    %dma_start3A_17 = tpu.memref_slice %arg4[%dma_start3A_15, %dma_start3A_16] : memref<1000000x128xf32, #tpu.memory_space<hbm>> -> memref<1000000x128xf32, #tpu.memory_space<hbm>>
    tpu.enqueue_indirect_dma source(%dma_start3A_17 : memref<1000000x128xf32, #tpu.memory_space<hbm>>) target(%arg9 : memref<100x128xf32, #tpu.memory_space<vmem>>) offsets(%dma_start3A_14 : memref<100xi32, #tpu.memory_space<vmem>>) semaphore(%arg14 : memref<!tpu.dma_semaphore, #tpu.memory_space<semaphore_mem>>)
    %dma_start3A_18 = arith.constant 2 : i32
    %dma_start3A_19 = arith.constant 0 : i32
    %dma_start3A_20 = tpu.memref_slice %arg6[%dma_start3A_18, %dma_start3A_19] : memref<64x100xi32, #tpu.memory_space<vmem>> -> memref<1x100xi32, #tpu.memory_space<vmem>>
    %dma_start3A_21 = tpu.memref_squeeze %dma_start3A_20 : memref<1x100xi32, #tpu.memory_space<vmem>> -> memref<100xi32, #tpu.memory_space<vmem>>
    %dma_start3A_22 = arith.constant 0 : i32
    %dma_start3A_23 = arith.constant 0 : i32
    %dma_start3A_24 = tpu.memref_slice %arg4[%dma_start3A_22, %dma_start3A_23] : memref<1000000x128xf32, #tpu.memory_space<hbm>> -> memref<1000000x128xf32, #tpu.memory_space<hbm>>
    tpu.enqueue_indirect_dma source(%dma_start3A_24 : memref<1000000x128xf32, #tpu.memory_space<hbm>>) target(%arg10 : memref<100x128xf32, #tpu.memory_space<vmem>>) offsets(%dma_start3A_21 : memref<100xi32, #tpu.memory_space<vmem>>) semaphore(%arg15 : memref<!tpu.dma_semaphore, #tpu.memory_space<semaphore_mem>>)
    %dma_start3A_25 = arith.constant 3 : i32
    %dma_start3A_26 = arith.constant 0 : i32
    %dma_start3A_27 = tpu.memref_slice %arg6[%dma_start3A_25, %dma_start3A_26] : memref<64x100xi32, #tpu.memory_space<vmem>> -> memref<1x100xi32, #tpu.memory_space<vmem>>
    %dma_start3A_28 = tpu.memref_squeeze %dma_start3A_27 : memref<1x100xi32, #tpu.memory_space<vmem>> -> memref<100xi32, #tpu.memory_space<vmem>>
    %dma_start3A_29 = arith.constant 0 : i32
    %dma_start3A_30 = arith.constant 0 : i32
    %dma_start3A_31 = tpu.memref_slice %arg4[%dma_start3A_29, %dma_start3A_30] : memref<1000000x128xf32, #tpu.memory_space<hbm>> -> memref<1000000x128xf32, #tpu.memory_space<hbm>>
    tpu.enqueue_indirect_dma source(%dma_start3A_31 : memref<1000000x128xf32, #tpu.memory_space<hbm>>) target(%arg11 : memref<100x128xf32, #tpu.memory_space<vmem>>) offsets(%dma_start3A_28 : memref<100xi32, #tpu.memory_space<vmem>>) semaphore(%arg16 : memref<!tpu.dma_semaphore, #tpu.memory_space<semaphore_mem>>)
    %scan3A = arith.constant 0 : i32
    %scan3A_32 = arith.constant 0 : i32
    %scan3A_33 = arith.constant 16 : i32
    %scan3A_34 = arith.addi %scan3A_32, %scan3A_33 : i32
    %scan3A_35 = arith.constant 1 : i32
    scf.for %scan3A_39 = %scan3A_32 to %scan3A_34 step %scan3A_35  : i32 {
      %mul3A_40 = arith.constant 4 : i32
      %mul3A_41 = arith.muli %mul3A_40, %scan3A_39 : i32
      %add3A_42 = arith.constant 0 : i32
      %add3A_43 = arith.addi %mul3A_41, %add3A_42 : i32
      %dma_wait3A = arith.constant 0 : i32
      %dma_wait3A_44 = tpu.memref_slice %arg6[%add3A_43, %dma_wait3A] : memref<64x100xi32, #tpu.memory_space<vmem>> -> memref<1x100xi32, #tpu.memory_space<vmem>>
      %dma_wait3A_45 = tpu.memref_squeeze %dma_wait3A_44 : memref<1x100xi32, #tpu.memory_space<vmem>> -> memref<100xi32, #tpu.memory_space<vmem>>
      %dma_wait3A_46 = arith.constant 0 : i32
      %dma_wait3A_47 = arith.constant 0 : i32
      %dma_wait3A_48 = tpu.memref_slice %arg4[%dma_wait3A_46, %dma_wait3A_47] : memref<1000000x128xf32, #tpu.memory_space<hbm>> -> memref<1000000x128xf32, #tpu.memory_space<hbm>>
      tpu.wait_indirect_dma semaphore(%arg13 : memref<!tpu.dma_semaphore, #tpu.memory_space<semaphore_mem>>) src(%dma_wait3A_48 : memref<1000000x128xf32, #tpu.memory_space<hbm>>) dst(%arg8 : memref<100x128xf32, #tpu.memory_space<vmem>>)
      %broadcast_in_dim3A = arith.constant 0.000000e+00 : f32
      %broadcast_in_dim3A_49 = vector.broadcast %broadcast_in_dim3A : f32 to vector<16xf32>
      %scan3A_50 = arith.constant 0.000000e+00 : f32
      %scan3A_51 = arith.constant 0.000000e+00 : f32
      %scan3A_52 = arith.constant 0 : i32
      %scan3A_53 = arith.constant 50 : i32
      %scan3A_54 = arith.addi %scan3A_52, %scan3A_53 : i32
      %scan3A_55 = arith.constant 1 : i32
      %scan3A_56:10 = scf.for %scan3A_484 = %scan3A_52 to %scan3A_54 step %scan3A_55 iter_args(%scan3A_485 = %broadcast_in_dim3A_49, %scan3A_486 = %broadcast_in_dim3A_49, %scan3A_487 = %broadcast_in_dim3A_49, %scan3A_488 = %broadcast_in_dim3A_49, %scan3A_489 = %scan3A_50, %scan3A_490 = %broadcast_in_dim3A_49, %scan3A_491 = %broadcast_in_dim3A_49, %scan3A_492 = %broadcast_in_dim3A_49, %scan3A_493 = %broadcast_in_dim3A_49, %scan3A_494 = %scan3A_51) -> (vector<16xf32>, vector<16xf32>, vector<16xf32>, vector<16xf32>, f32, vector<16xf32>, vector<16xf32>, vector<16xf32>, vector<16xf32>, f32)  : i32 {
        %mul3A_495 = arith.constant 100 : i32
        %mul3A_496 = arith.muli %add3A_43, %mul3A_495 : i32
        %add3A_497 = arith.constant 0 : i32
        %add3A_498 = arith.addi %mul3A_496, %add3A_497 : i32
        %add3A_499 = arith.addi %add3A_498, %scan3A_484 : i32
        %get3A = arith.index_cast %add3A_499 : i32 to index
        %get3A_500 = tpu.vector_load %arg7[%get3A] {strides = array<i32>} : memref<6416xf32, #tpu.memory_space<vmem>>, vector<16xf32>,
        %get3A_501 = vector.shape_cast %get3A_500 : vector<16xf32> to vector<16xf32>
        %slice3A = vector.extract_strided_slice %get3A_501 {offsets = [0], sizes = [1], strides = [1]} : vector<16xf32> to vector<1xf32>
        %squeeze3A = vector.extract %slice3A[0] : f32 from vector<1xf32>
        %add3A_502 = arith.constant 0 : i32
        %add3A_503 = arith.addi %add3A_502, %scan3A_484 : i32
        %get3A_504 = arith.index_cast %add3A_503 : i32 to index
        %get3A_505 = arith.constant 0 : index
        %get3A_506 = tpu.vector_load %arg8[%get3A_504, %get3A_505] {strides = array<i32>} : memref<100x128xf32, #tpu.memory_space<vmem>>, vector<1x16xf32>,
        %get3A_507 = vector.shape_cast %get3A_506 : vector<1x16xf32> to vector<16xf32>
        %mul3A_508 = vector.broadcast %squeeze3A : f32 to vector<16xf32>
        %mul3A_509 = arith.mulf %get3A_507, %mul3A_508 : vector<16xf32>
        %add3A_510 = arith.addf %scan3A_485, %mul3A_509 : vector<16xf32>
        %get3A_511 = arith.index_cast %add3A_503 : i32 to index
        %get3A_512 = arith.constant 16 : index
        %get3A_513 = tpu.vector_load %arg8[%get3A_511, %get3A_512] {strides = array<i32>} : memref<100x128xf32, #tpu.memory_space<vmem>>, vector<1x16xf32>,
        %get3A_514 = vector.shape_cast %get3A_513 : vector<1x16xf32> to vector<16xf32>
        %mul3A_515 = vector.broadcast %squeeze3A : f32 to vector<16xf32>
        %mul3A_516 = arith.mulf %get3A_514, %mul3A_515 : vector<16xf32>
        %add3A_517 = arith.addf %scan3A_486, %mul3A_516 : vector<16xf32>
        %get3A_518 = arith.index_cast %add3A_503 : i32 to index
        %get3A_519 = arith.constant 32 : index
        %get3A_520 = tpu.vector_load %arg8[%get3A_518, %get3A_519] {strides = array<i32>} : memref<100x128xf32, #tpu.memory_space<vmem>>, vector<1x16xf32>,
        %get3A_521 = vector.shape_cast %get3A_520 : vector<1x16xf32> to vector<16xf32>
        %mul3A_522 = vector.broadcast %squeeze3A : f32 to vector<16xf32>
        %mul3A_523 = arith.mulf %get3A_521, %mul3A_522 : vector<16xf32>
        %add3A_524 = arith.addf %scan3A_487, %mul3A_523 : vector<16xf32>
        %get3A_525 = arith.index_cast %add3A_503 : i32 to index
        %get3A_526 = arith.constant 48 : index
        %get3A_527 = tpu.vector_load %arg8[%get3A_525, %get3A_526] {strides = array<i32>} : memref<100x128xf32, #tpu.memory_space<vmem>>, vector<1x16xf32>,
        %get3A_528 = vector.shape_cast %get3A_527 : vector<1x16xf32> to vector<16xf32>
        %mul3A_529 = vector.broadcast %squeeze3A : f32 to vector<16xf32>
        %mul3A_530 = arith.mulf %get3A_528, %mul3A_529 : vector<16xf32>
        %add3A_531 = arith.addf %scan3A_488, %mul3A_530 : vector<16xf32>
        %add3A_532 = arith.addf %scan3A_489, %squeeze3A : f32
        %mul3A_533 = arith.constant 100 : i32
        %mul3A_534 = arith.muli %add3A_43, %mul3A_533 : i32
        %add3A_535 = arith.constant 50 : i32
        %add3A_536 = arith.addi %mul3A_534, %add3A_535 : i32
        %add3A_537 = arith.addi %add3A_536, %scan3A_484 : i32
        %get3A_538 = arith.index_cast %add3A_537 : i32 to index
        %get3A_539 = tpu.vector_load %arg7[%get3A_538] {strides = array<i32>} : memref<6416xf32, #tpu.memory_space<vmem>>, vector<16xf32>,
        %get3A_540 = vector.shape_cast %get3A_539 : vector<16xf32> to vector<16xf32>
        %slice3A_541 = vector.extract_strided_slice %get3A_540 {offsets = [0], sizes = [1], strides = [1]} : vector<16xf32> to vector<1xf32>
        %squeeze3A_542 = vector.extract %slice3A_541[0] : f32 from vector<1xf32>
        %add3A_543 = arith.constant 50 : i32
        %add3A_544 = arith.addi %add3A_543, %scan3A_484 : i32
        %get3A_545 = arith.index_cast %add3A_544 : i32 to index
        %get3A_546 = arith.constant 0 : index
        %get3A_547 = tpu.vector_load %arg8[%get3A_545, %get3A_546] {strides = array<i32>} : memref<100x128xf32, #tpu.memory_space<vmem>>, vector<1x16xf32>,
        %get3A_548 = vector.shape_cast %get3A_547 : vector<1x16xf32> to vector<16xf32>
        %mul3A_549 = vector.broadcast %squeeze3A_542 : f32 to vector<16xf32>
        %mul3A_550 = arith.mulf %get3A_548, %mul3A_549 : vector<16xf32>
        %add3A_551 = arith.addf %scan3A_490, %mul3A_550 : vector<16xf32>
        %get3A_552 = arith.index_cast %add3A_544 : i32 to index
        %get3A_553 = arith.constant 16 : index
        %get3A_554 = tpu.vector_load %arg8[%get3A_552, %get3A_553] {strides = array<i32>} : memref<100x128xf32, #tpu.memory_space<vmem>>, vector<1x16xf32>,
        %get3A_555 = vector.shape_cast %get3A_554 : vector<1x16xf32> to vector<16xf32>
        %mul3A_556 = vector.broadcast %squeeze3A_542 : f32 to vector<16xf32>
        %mul3A_557 = arith.mulf %get3A_555, %mul3A_556 : vector<16xf32>
        %add3A_558 = arith.addf %scan3A_491, %mul3A_557 : vector<16xf32>
        %get3A_559 = arith.index_cast %add3A_544 : i32 to index
        %get3A_560 = arith.constant 32 : index
        %get3A_561 = tpu.vector_load %arg8[%get3A_559, %get3A_560] {strides = array<i32>} : memref<100x128xf32, #tpu.memory_space<vmem>>, vector<1x16xf32>,
        %get3A_562 = vector.shape_cast %get3A_561 : vector<1x16xf32> to vector<16xf32>
        %mul3A_563 = vector.broadcast %squeeze3A_542 : f32 to vector<16xf32>
        %mul3A_564 = arith.mulf %get3A_562, %mul3A_563 : vector<16xf32>
        %add3A_565 = arith.addf %scan3A_492, %mul3A_564 : vector<16xf32>
        %get3A_566 = arith.index_cast %add3A_544 : i32 to index
        %get3A_567 = arith.constant 48 : index
        %get3A_568 = tpu.vector_load %arg8[%get3A_566, %get3A_567] {strides = array<i32>} : memref<100x128xf32, #tpu.memory_space<vmem>>, vector<1x16xf32>,
        %get3A_569 = vector.shape_cast %get3A_568 : vector<1x16xf32> to vector<16xf32>
        %mul3A_570 = vector.broadcast %squeeze3A_542 : f32 to vector<16xf32>
        %mul3A_571 = arith.mulf %get3A_569, %mul3A_570 : vector<16xf32>
        %add3A_572 = arith.addf %scan3A_493, %mul3A_571 : vector<16xf32>
        %add3A_573 = arith.addf %scan3A_494, %squeeze3A_542 : f32
        scf.yield %add3A_510, %add3A_517, %add3A_524, %add3A_531, %add3A_532, %add3A_551, %add3A_558, %add3A_565, %add3A_572, %add3A_573 : vector<16xf32>, vector<16xf32>, vector<16xf32>, vector<16xf32>, f32, vector<16xf32>, vector<16xf32>, vector<16xf32>, vector<16xf32>, f32
      }
      %scan3A_57 = arith.constant 50 : i32
      %max3A = arith.constant 1.000000e+00 : f32
      %max3A_58 = arith.maximumf %scan3A_56#4, %max3A : f32
      %broadcast_in_dim3A_59 = vector.broadcast %max3A_58 : f32 to vector<16xf32>
      %div3A = arith.divf %scan3A_56#0, %broadcast_in_dim3A_59 : vector<16xf32>
      %mul3A_60 = arith.constant 2 : i32
      %mul3A_61 = arith.muli %add3A_43, %mul3A_60 : i32
      %add3A_62 = arith.constant 0 : i32
      %add3A_63 = arith.addi %mul3A_61, %add3A_62 : i32
      %swap3A = arith.index_cast %add3A_63 : i32 to index
      %swap3A_64 = arith.constant 0 : index
      %swap3A_65 = tpu.vector_load %arg12[%swap3A, %swap3A_64] {strides = array<i32>} : memref<128x64xf32, #tpu.memory_space<vmem>>, vector<1x16xf32>,
      %swap3A_66 = vector.shape_cast %swap3A_65 : vector<1x16xf32> to vector<16xf32>
      %swap3A_67 = vector.shape_cast %div3A : vector<16xf32> to vector<1x16xf32>
      tpu.vector_store %arg12[%swap3A, %swap3A_64], %swap3A_67 {strides = array<i32>} : memref<128x64xf32, #tpu.memory_space<vmem>>, vector<1x16xf32>,
      %div3A_68 = arith.divf %scan3A_56#1, %broadcast_in_dim3A_59 : vector<16xf32>
      %mul3A_69 = arith.constant 2 : i32
      %mul3A_70 = arith.muli %add3A_43, %mul3A_69 : i32
      %add3A_71 = arith.constant 0 : i32
      %add3A_72 = arith.addi %mul3A_70, %add3A_71 : i32
      %swap3A_73 = arith.index_cast %add3A_72 : i32 to index
      %swap3A_74 = arith.constant 16 : index
      %swap3A_75 = tpu.vector_load %arg12[%swap3A_73, %swap3A_74] {strides = array<i32>} : memref<128x64xf32, #tpu.memory_space<vmem>>, vector<1x16xf32>,
      %swap3A_76 = vector.shape_cast %swap3A_75 : vector<1x16xf32> to vector<16xf32>
      %swap3A_77 = vector.shape_cast %div3A_68 : vector<16xf32> to vector<1x16xf32>
      tpu.vector_store %arg12[%swap3A_73, %swap3A_74], %swap3A_77 {strides = array<i32>} : memref<128x64xf32, #tpu.memory_space<vmem>>, vector<1x16xf32>,
      %div3A_78 = arith.divf %scan3A_56#2, %broadcast_in_dim3A_59 : vector<16xf32>
      %mul3A_79 = arith.constant 2 : i32
      %mul3A_80 = arith.muli %add3A_43, %mul3A_79 : i32
      %add3A_81 = arith.constant 0 : i32
      %add3A_82 = arith.addi %mul3A_80, %add3A_81 : i32
      %swap3A_83 = arith.index_cast %add3A_82 : i32 to index
      %swap3A_84 = arith.constant 32 : index
      %swap3A_85 = tpu.vector_load %arg12[%swap3A_83, %swap3A_84] {strides = array<i32>} : memref<128x64xf32, #tpu.memory_space<vmem>>, vector<1x16xf32>,
      %swap3A_86 = vector.shape_cast %swap3A_85 : vector<1x16xf32> to vector<16xf32>
      %swap3A_87 = vector.shape_cast %div3A_78 : vector<16xf32> to vector<1x16xf32>
      tpu.vector_store %arg12[%swap3A_83, %swap3A_84], %swap3A_87 {strides = array<i32>} : memref<128x64xf32, #tpu.memory_space<vmem>>, vector<1x16xf32>,
      %div3A_88 = arith.divf %scan3A_56#3, %broadcast_in_dim3A_59 : vector<16xf32>
      %mul3A_89 = arith.constant 2 : i32
      %mul3A_90 = arith.muli %add3A_43, %mul3A_89 : i32
      %add3A_91 = arith.constant 0 : i32
      %add3A_92 = arith.addi %mul3A_90, %add3A_91 : i32
      %swap3A_93 = arith.index_cast %add3A_92 : i32 to index
      %swap3A_94 = arith.constant 48 : index
      %swap3A_95 = tpu.vector_load %arg12[%swap3A_93, %swap3A_94] {strides = array<i32>} : memref<128x64xf32, #tpu.memory_space<vmem>>, vector<1x16xf32>,
      %swap3A_96 = vector.shape_cast %swap3A_95 : vector<1x16xf32> to vector<16xf32>
      %swap3A_97 = vector.shape_cast %div3A_88 : vector<16xf32> to vector<1x16xf32>
      tpu.vector_store %arg12[%swap3A_93, %swap3A_94], %swap3A_97 {strides = array<i32>} : memref<128x64xf32, #tpu.memory_space<vmem>>, vector<1x16xf32>,
      %max3A_98 = arith.constant 1.000000e+00 : f32
      %max3A_99 = arith.maximumf %scan3A_56#9, %max3A_98 : f32
      %broadcast_in_dim3A_100 = vector.broadcast %max3A_99 : f32 to vector<16xf32>
      %div3A_101 = arith.divf %scan3A_56#5, %broadcast_in_dim3A_100 : vector<16xf32>
      %mul3A_102 = arith.constant 2 : i32
      %mul3A_103 = arith.muli %add3A_43, %mul3A_102 : i32
      %add3A_104 = arith.constant 1 : i32
      %add3A_105 = arith.addi %mul3A_103, %add3A_104 : i32
      %swap3A_106 = arith.index_cast %add3A_105 : i32 to index
      %swap3A_107 = arith.constant 0 : index
      %swap3A_108 = tpu.vector_load %arg12[%swap3A_106, %swap3A_107] {strides = array<i32>} : memref<128x64xf32, #tpu.memory_space<vmem>>, vector<1x16xf32>,
      %swap3A_109 = vector.shape_cast %swap3A_108 : vector<1x16xf32> to vector<16xf32>
      %swap3A_110 = vector.shape_cast %div3A_101 : vector<16xf32> to vector<1x16xf32>
      tpu.vector_store %arg12[%swap3A_106, %swap3A_107], %swap3A_110 {strides = array<i32>} : memref<128x64xf32, #tpu.memory_space<vmem>>, vector<1x16xf32>,
      %div3A_111 = arith.divf %scan3A_56#6, %broadcast_in_dim3A_100 : vector<16xf32>
      %mul3A_112 = arith.constant 2 : i32
      %mul3A_113 = arith.muli %add3A_43, %mul3A_112 : i32
      %add3A_114 = arith.constant 1 : i32
      %add3A_115 = arith.addi %mul3A_113, %add3A_114 : i32
      %swap3A_116 = arith.index_cast %add3A_115 : i32 to index
      %swap3A_117 = arith.constant 16 : index
      %swap3A_118 = tpu.vector_load %arg12[%swap3A_116, %swap3A_117] {strides = array<i32>} : memref<128x64xf32, #tpu.memory_space<vmem>>, vector<1x16xf32>,
      %swap3A_119 = vector.shape_cast %swap3A_118 : vector<1x16xf32> to vector<16xf32>
      %swap3A_120 = vector.shape_cast %div3A_111 : vector<16xf32> to vector<1x16xf32>
      tpu.vector_store %arg12[%swap3A_116, %swap3A_117], %swap3A_120 {strides = array<i32>} : memref<128x64xf32, #tpu.memory_space<vmem>>, vector<1x16xf32>,
      %div3A_121 = arith.divf %scan3A_56#7, %broadcast_in_dim3A_100 : vector<16xf32>
      %mul3A_122 = arith.constant 2 : i32
      %mul3A_123 = arith.muli %add3A_43, %mul3A_122 : i32
      %add3A_124 = arith.constant 1 : i32
      %add3A_125 = arith.addi %mul3A_123, %add3A_124 : i32
      %swap3A_126 = arith.index_cast %add3A_125 : i32 to index
      %swap3A_127 = arith.constant 32 : index
      %swap3A_128 = tpu.vector_load %arg12[%swap3A_126, %swap3A_127] {strides = array<i32>} : memref<128x64xf32, #tpu.memory_space<vmem>>, vector<1x16xf32>,
      %swap3A_129 = vector.shape_cast %swap3A_128 : vector<1x16xf32> to vector<16xf32>
      %swap3A_130 = vector.shape_cast %div3A_121 : vector<16xf32> to vector<1x16xf32>
      tpu.vector_store %arg12[%swap3A_126, %swap3A_127], %swap3A_130 {strides = array<i32>} : memref<128x64xf32, #tpu.memory_space<vmem>>, vector<1x16xf32>,
      %div3A_131 = arith.divf %scan3A_56#8, %broadcast_in_dim3A_100 : vector<16xf32>
      %mul3A_132 = arith.constant 2 : i32
      %mul3A_133 = arith.muli %add3A_43, %mul3A_132 : i32
      %add3A_134 = arith.constant 1 : i32
      %add3A_135 = arith.addi %mul3A_133, %add3A_134 : i32
      %swap3A_136 = arith.index_cast %add3A_135 : i32 to index
      %swap3A_137 = arith.constant 48 : index
      %swap3A_138 = tpu.vector_load %arg12[%swap3A_136, %swap3A_137] {strides = array<i32>} : memref<128x64xf32, #tpu.memory_space<vmem>>, vector<1x16xf32>,
      %swap3A_139 = vector.shape_cast %swap3A_138 : vector<1x16xf32> to vector<16xf32>
      %swap3A_140 = vector.shape_cast %div3A_131 : vector<16xf32> to vector<1x16xf32>
      tpu.vector_store %arg12[%swap3A_136, %swap3A_137], %swap3A_140 {strides = array<i32>} : memref<128x64xf32, #tpu.memory_space<vmem>>, vector<1x16xf32>,
      %add3A_141 = arith.constant 4 : i32
      %add3A_142 = arith.addi %add3A_43, %add3A_141 : i32
      %lt3A = arith.constant 64 : i32
      %lt3A_143 = arith.cmpi slt, %add3A_142, %lt3A : i32
      %convert_element_type3A = arith.extui %lt3A_143 : i1 to i32
      %cond3A = arith.constant 0 : i32
      %cond3A_144 = arith.cmpi ne, %convert_element_type3A, %cond3A : i32
      scf.if %cond3A_144 {
        %add3A_484 = arith.constant 4 : i32
        %add3A_485 = arith.addi %add3A_43, %add3A_484 : i32
        %dma_start3A_486 = arith.constant 0 : i32
        %dma_start3A_487 = tpu.memref_slice %arg6[%add3A_485, %dma_start3A_486] : memref<64x100xi32, #tpu.memory_space<vmem>> -> memref<1x100xi32, #tpu.memory_space<vmem>>
        %dma_start3A_488 = tpu.memref_squeeze %dma_start3A_487 : memref<1x100xi32, #tpu.memory_space<vmem>> -> memref<100xi32, #tpu.memory_space<vmem>>
        %dma_start3A_489 = arith.constant 0 : i32
        %dma_start3A_490 = arith.constant 0 : i32
        %dma_start3A_491 = tpu.memref_slice %arg4[%dma_start3A_489, %dma_start3A_490] : memref<1000000x128xf32, #tpu.memory_space<hbm>> -> memref<1000000x128xf32, #tpu.memory_space<hbm>>
        tpu.enqueue_indirect_dma source(%dma_start3A_491 : memref<1000000x128xf32, #tpu.memory_space<hbm>>) target(%arg8 : memref<100x128xf32, #tpu.memory_space<vmem>>) offsets(%dma_start3A_488 : memref<100xi32, #tpu.memory_space<vmem>>) semaphore(%arg13 : memref<!tpu.dma_semaphore, #tpu.memory_space<semaphore_mem>>)
      } else {
      }
      %mul3A_145 = arith.constant 4 : i32
      %mul3A_146 = arith.muli %mul3A_145, %scan3A_39 : i32
      %add3A_147 = arith.constant 1 : i32
      %add3A_148 = arith.addi %mul3A_146, %add3A_147 : i32
      %dma_wait3A_149 = arith.constant 0 : i32
      %dma_wait3A_150 = tpu.memref_slice %arg6[%add3A_148, %dma_wait3A_149] : memref<64x100xi32, #tpu.memory_space<vmem>> -> memref<1x100xi32, #tpu.memory_space<vmem>>
      %dma_wait3A_151 = tpu.memref_squeeze %dma_wait3A_150 : memref<1x100xi32, #tpu.memory_space<vmem>> -> memref<100xi32, #tpu.memory_space<vmem>>
      %dma_wait3A_152 = arith.constant 0 : i32
      %dma_wait3A_153 = arith.constant 0 : i32
      %dma_wait3A_154 = tpu.memref_slice %arg4[%dma_wait3A_152, %dma_wait3A_153] : memref<1000000x128xf32, #tpu.memory_space<hbm>> -> memref<1000000x128xf32, #tpu.memory_space<hbm>>
      tpu.wait_indirect_dma semaphore(%arg14 : memref<!tpu.dma_semaphore, #tpu.memory_space<semaphore_mem>>) src(%dma_wait3A_154 : memref<1000000x128xf32, #tpu.memory_space<hbm>>) dst(%arg9 : memref<100x128xf32, #tpu.memory_space<vmem>>)
      %broadcast_in_dim3A_155 = arith.constant 0.000000e+00 : f32
      %broadcast_in_dim3A_156 = vector.broadcast %broadcast_in_dim3A_155 : f32 to vector<16xf32>
      %scan3A_157 = arith.constant 0.000000e+00 : f32
      %scan3A_158 = arith.constant 0.000000e+00 : f32
      %scan3A_159 = arith.constant 0 : i32
      %scan3A_160 = arith.constant 50 : i32
      %scan3A_161 = arith.addi %scan3A_159, %scan3A_160 : i32
      %scan3A_162 = arith.constant 1 : i32
      %scan3A_163:10 = scf.for %scan3A_484 = %scan3A_159 to %scan3A_161 step %scan3A_162 iter_args(%scan3A_485 = %broadcast_in_dim3A_156, %scan3A_486 = %broadcast_in_dim3A_156, %scan3A_487 = %broadcast_in_dim3A_156, %scan3A_488 = %broadcast_in_dim3A_156, %scan3A_489 = %scan3A_157, %scan3A_490 = %broadcast_in_dim3A_156, %scan3A_491 = %broadcast_in_dim3A_156, %scan3A_492 = %broadcast_in_dim3A_156, %scan3A_493 = %broadcast_in_dim3A_156, %scan3A_494 = %scan3A_158) -> (vector<16xf32>, vector<16xf32>, vector<16xf32>, vector<16xf32>, f32, vector<16xf32>, vector<16xf32>, vector<16xf32>, vector<16xf32>, f32)  : i32 {
        %mul3A_495 = arith.constant 100 : i32
        %mul3A_496 = arith.muli %add3A_148, %mul3A_495 : i32
        %add3A_497 = arith.constant 0 : i32
        %add3A_498 = arith.addi %mul3A_496, %add3A_497 : i32
        %add3A_499 = arith.addi %add3A_498, %scan3A_484 : i32
        %get3A = arith.index_cast %add3A_499 : i32 to index
        %get3A_500 = tpu.vector_load %arg7[%get3A] {strides = array<i32>} : memref<6416xf32, #tpu.memory_space<vmem>>, vector<16xf32>,
        %get3A_501 = vector.shape_cast %get3A_500 : vector<16xf32> to vector<16xf32>
        %slice3A = vector.extract_strided_slice %get3A_501 {offsets = [0], sizes = [1], strides = [1]} : vector<16xf32> to vector<1xf32>
        %squeeze3A = vector.extract %slice3A[0] : f32 from vector<1xf32>
        %add3A_502 = arith.constant 0 : i32
        %add3A_503 = arith.addi %add3A_502, %scan3A_484 : i32
        %get3A_504 = arith.index_cast %add3A_503 : i32 to index
        %get3A_505 = arith.constant 0 : index
        %get3A_506 = tpu.vector_load %arg9[%get3A_504, %get3A_505] {strides = array<i32>} : memref<100x128xf32, #tpu.memory_space<vmem>>, vector<1x16xf32>,
        %get3A_507 = vector.shape_cast %get3A_506 : vector<1x16xf32> to vector<16xf32>
        %mul3A_508 = vector.broadcast %squeeze3A : f32 to vector<16xf32>
        %mul3A_509 = arith.mulf %get3A_507, %mul3A_508 : vector<16xf32>
        %add3A_510 = arith.addf %scan3A_485, %mul3A_509 : vector<16xf32>
        %get3A_511 = arith.index_cast %add3A_503 : i32 to index
        %get3A_512 = arith.constant 16 : index
        %get3A_513 = tpu.vector_load %arg9[%get3A_511, %get3A_512] {strides = array<i32>} : memref<100x128xf32, #tpu.memory_space<vmem>>, vector<1x16xf32>,
        %get3A_514 = vector.shape_cast %get3A_513 : vector<1x16xf32> to vector<16xf32>
        %mul3A_515 = vector.broadcast %squeeze3A : f32 to vector<16xf32>
        %mul3A_516 = arith.mulf %get3A_514, %mul3A_515 : vector<16xf32>
        %add3A_517 = arith.addf %scan3A_486, %mul3A_516 : vector<16xf32>
        %get3A_518 = arith.index_cast %add3A_503 : i32 to index
        %get3A_519 = arith.constant 32 : index
        %get3A_520 = tpu.vector_load %arg9[%get3A_518, %get3A_519] {strides = array<i32>} : memref<100x128xf32, #tpu.memory_space<vmem>>, vector<1x16xf32>,
        %get3A_521 = vector.shape_cast %get3A_520 : vector<1x16xf32> to vector<16xf32>
        %mul3A_522 = vector.broadcast %squeeze3A : f32 to vector<16xf32>
        %mul3A_523 = arith.mulf %get3A_521, %mul3A_522 : vector<16xf32>
        %add3A_524 = arith.addf %scan3A_487, %mul3A_523 : vector<16xf32>
        %get3A_525 = arith.index_cast %add3A_503 : i32 to index
        %get3A_526 = arith.constant 48 : index
        %get3A_527 = tpu.vector_load %arg9[%get3A_525, %get3A_526] {strides = array<i32>} : memref<100x128xf32, #tpu.memory_space<vmem>>, vector<1x16xf32>,
        %get3A_528 = vector.shape_cast %get3A_527 : vector<1x16xf32> to vector<16xf32>
        %mul3A_529 = vector.broadcast %squeeze3A : f32 to vector<16xf32>
        %mul3A_530 = arith.mulf %get3A_528, %mul3A_529 : vector<16xf32>
        %add3A_531 = arith.addf %scan3A_488, %mul3A_530 : vector<16xf32>
        %add3A_532 = arith.addf %scan3A_489, %squeeze3A : f32
        %mul3A_533 = arith.constant 100 : i32
        %mul3A_534 = arith.muli %add3A_148, %mul3A_533 : i32
        %add3A_535 = arith.constant 50 : i32
        %add3A_536 = arith.addi %mul3A_534, %add3A_535 : i32
        %add3A_537 = arith.addi %add3A_536, %scan3A_484 : i32
        %get3A_538 = arith.index_cast %add3A_537 : i32 to index
        %get3A_539 = tpu.vector_load %arg7[%get3A_538] {strides = array<i32>} : memref<6416xf32, #tpu.memory_space<vmem>>, vector<16xf32>,
        %get3A_540 = vector.shape_cast %get3A_539 : vector<16xf32> to vector<16xf32>
        %slice3A_541 = vector.extract_strided_slice %get3A_540 {offsets = [0], sizes = [1], strides = [1]} : vector<16xf32> to vector<1xf32>
        %squeeze3A_542 = vector.extract %slice3A_541[0] : f32 from vector<1xf32>
        %add3A_543 = arith.constant 50 : i32
        %add3A_544 = arith.addi %add3A_543, %scan3A_484 : i32
        %get3A_545 = arith.index_cast %add3A_544 : i32 to index
        %get3A_546 = arith.constant 0 : index
        %get3A_547 = tpu.vector_load %arg9[%get3A_545, %get3A_546] {strides = array<i32>} : memref<100x128xf32, #tpu.memory_space<vmem>>, vector<1x16xf32>,
        %get3A_548 = vector.shape_cast %get3A_547 : vector<1x16xf32> to vector<16xf32>
        %mul3A_549 = vector.broadcast %squeeze3A_542 : f32 to vector<16xf32>
        %mul3A_550 = arith.mulf %get3A_548, %mul3A_549 : vector<16xf32>
        %add3A_551 = arith.addf %scan3A_490, %mul3A_550 : vector<16xf32>
        %get3A_552 = arith.index_cast %add3A_544 : i32 to index
        %get3A_553 = arith.constant 16 : index
        %get3A_554 = tpu.vector_load %arg9[%get3A_552, %get3A_553] {strides = array<i32>} : memref<100x128xf32, #tpu.memory_space<vmem>>, vector<1x16xf32>,
        %get3A_555 = vector.shape_cast %get3A_554 : vector<1x16xf32> to vector<16xf32>
        %mul3A_556 = vector.broadcast %squeeze3A_542 : f32 to vector<16xf32>
        %mul3A_557 = arith.mulf %get3A_555, %mul3A_556 : vector<16xf32>
        %add3A_558 = arith.addf %scan3A_491, %mul3A_557 : vector<16xf32>
        %get3A_559 = arith.index_cast %add3A_544 : i32 to index
        %get3A_560 = arith.constant 32 : index
        %get3A_561 = tpu.vector_load %arg9[%get3A_559, %get3A_560] {strides = array<i32>} : memref<100x128xf32, #tpu.memory_space<vmem>>, vector<1x16xf32>,
        %get3A_562 = vector.shape_cast %get3A_561 : vector<1x16xf32> to vector<16xf32>
        %mul3A_563 = vector.broadcast %squeeze3A_542 : f32 to vector<16xf32>
        %mul3A_564 = arith.mulf %get3A_562, %mul3A_563 : vector<16xf32>
        %add3A_565 = arith.addf %scan3A_492, %mul3A_564 : vector<16xf32>
        %get3A_566 = arith.index_cast %add3A_544 : i32 to index
        %get3A_567 = arith.constant 48 : index
        %get3A_568 = tpu.vector_load %arg9[%get3A_566, %get3A_567] {strides = array<i32>} : memref<100x128xf32, #tpu.memory_space<vmem>>, vector<1x16xf32>,
        %get3A_569 = vector.shape_cast %get3A_568 : vector<1x16xf32> to vector<16xf32>
        %mul3A_570 = vector.broadcast %squeeze3A_542 : f32 to vector<16xf32>
        %mul3A_571 = arith.mulf %get3A_569, %mul3A_570 : vector<16xf32>
        %add3A_572 = arith.addf %scan3A_493, %mul3A_571 : vector<16xf32>
        %add3A_573 = arith.addf %scan3A_494, %squeeze3A_542 : f32
        scf.yield %add3A_510, %add3A_517, %add3A_524, %add3A_531, %add3A_532, %add3A_551, %add3A_558, %add3A_565, %add3A_572, %add3A_573 : vector<16xf32>, vector<16xf32>, vector<16xf32>, vector<16xf32>, f32, vector<16xf32>, vector<16xf32>, vector<16xf32>, vector<16xf32>, f32
      }
      %scan3A_164 = arith.constant 50 : i32
      %max3A_165 = arith.constant 1.000000e+00 : f32
      %max3A_166 = arith.maximumf %scan3A_163#4, %max3A_165 : f32
      %broadcast_in_dim3A_167 = vector.broadcast %max3A_166 : f32 to vector<16xf32>
      %div3A_168 = arith.divf %scan3A_163#0, %broadcast_in_dim3A_167 : vector<16xf32>
      %mul3A_169 = arith.constant 2 : i32
      %mul3A_170 = arith.muli %add3A_148, %mul3A_169 : i32
      %add3A_171 = arith.constant 0 : i32
      %add3A_172 = arith.addi %mul3A_170, %add3A_171 : i32
      %swap3A_173 = arith.index_cast %add3A_172 : i32 to index
      %swap3A_174 = arith.constant 0 : index
      %swap3A_175 = tpu.vector_load %arg12[%swap3A_173, %swap3A_174] {strides = array<i32>} : memref<128x64xf32, #tpu.memory_space<vmem>>, vector<1x16xf32>,
      %swap3A_176 = vector.shape_cast %swap3A_175 : vector<1x16xf32> to vector<16xf32>
      %swap3A_177 = vector.shape_cast %div3A_168 : vector<16xf32> to vector<1x16xf32>
      tpu.vector_store %arg12[%swap3A_173, %swap3A_174], %swap3A_177 {strides = array<i32>} : memref<128x64xf32, #tpu.memory_space<vmem>>, vector<1x16xf32>,
      %div3A_178 = arith.divf %scan3A_163#1, %broadcast_in_dim3A_167 : vector<16xf32>
      %mul3A_179 = arith.constant 2 : i32
      %mul3A_180 = arith.muli %add3A_148, %mul3A_179 : i32
      %add3A_181 = arith.constant 0 : i32
      %add3A_182 = arith.addi %mul3A_180, %add3A_181 : i32
      %swap3A_183 = arith.index_cast %add3A_182 : i32 to index
      %swap3A_184 = arith.constant 16 : index
      %swap3A_185 = tpu.vector_load %arg12[%swap3A_183, %swap3A_184] {strides = array<i32>} : memref<128x64xf32, #tpu.memory_space<vmem>>, vector<1x16xf32>,
      %swap3A_186 = vector.shape_cast %swap3A_185 : vector<1x16xf32> to vector<16xf32>
      %swap3A_187 = vector.shape_cast %div3A_178 : vector<16xf32> to vector<1x16xf32>
      tpu.vector_store %arg12[%swap3A_183, %swap3A_184], %swap3A_187 {strides = array<i32>} : memref<128x64xf32, #tpu.memory_space<vmem>>, vector<1x16xf32>,
      %div3A_188 = arith.divf %scan3A_163#2, %broadcast_in_dim3A_167 : vector<16xf32>
      %mul3A_189 = arith.constant 2 : i32
      %mul3A_190 = arith.muli %add3A_148, %mul3A_189 : i32
      %add3A_191 = arith.constant 0 : i32
      %add3A_192 = arith.addi %mul3A_190, %add3A_191 : i32
      %swap3A_193 = arith.index_cast %add3A_192 : i32 to index
      %swap3A_194 = arith.constant 32 : index
      %swap3A_195 = tpu.vector_load %arg12[%swap3A_193, %swap3A_194] {strides = array<i32>} : memref<128x64xf32, #tpu.memory_space<vmem>>, vector<1x16xf32>,
      %swap3A_196 = vector.shape_cast %swap3A_195 : vector<1x16xf32> to vector<16xf32>
      %swap3A_197 = vector.shape_cast %div3A_188 : vector<16xf32> to vector<1x16xf32>
      tpu.vector_store %arg12[%swap3A_193, %swap3A_194], %swap3A_197 {strides = array<i32>} : memref<128x64xf32, #tpu.memory_space<vmem>>, vector<1x16xf32>,
      %div3A_198 = arith.divf %scan3A_163#3, %broadcast_in_dim3A_167 : vector<16xf32>
      %mul3A_199 = arith.constant 2 : i32
      %mul3A_200 = arith.muli %add3A_148, %mul3A_199 : i32
      %add3A_201 = arith.constant 0 : i32
      %add3A_202 = arith.addi %mul3A_200, %add3A_201 : i32
      %swap3A_203 = arith.index_cast %add3A_202 : i32 to index
      %swap3A_204 = arith.constant 48 : index
      %swap3A_205 = tpu.vector_load %arg12[%swap3A_203, %swap3A_204] {strides = array<i32>} : memref<128x64xf32, #tpu.memory_space<vmem>>, vector<1x16xf32>,
      %swap3A_206 = vector.shape_cast %swap3A_205 : vector<1x16xf32> to vector<16xf32>
      %swap3A_207 = vector.shape_cast %div3A_198 : vector<16xf32> to vector<1x16xf32>
      tpu.vector_store %arg12[%swap3A_203, %swap3A_204], %swap3A_207 {strides = array<i32>} : memref<128x64xf32, #tpu.memory_space<vmem>>, vector<1x16xf32>,
      %max3A_208 = arith.constant 1.000000e+00 : f32
      %max3A_209 = arith.maximumf %scan3A_163#9, %max3A_208 : f32
      %broadcast_in_dim3A_210 = vector.broadcast %max3A_209 : f32 to vector<16xf32>
      %div3A_211 = arith.divf %scan3A_163#5, %broadcast_in_dim3A_210 : vector<16xf32>
      %mul3A_212 = arith.constant 2 : i32
      %mul3A_213 = arith.muli %add3A_148, %mul3A_212 : i32
      %add3A_214 = arith.constant 1 : i32
      %add3A_215 = arith.addi %mul3A_213, %add3A_214 : i32
      %swap3A_216 = arith.index_cast %add3A_215 : i32 to index
      %swap3A_217 = arith.constant 0 : index
      %swap3A_218 = tpu.vector_load %arg12[%swap3A_216, %swap3A_217] {strides = array<i32>} : memref<128x64xf32, #tpu.memory_space<vmem>>, vector<1x16xf32>,
      %swap3A_219 = vector.shape_cast %swap3A_218 : vector<1x16xf32> to vector<16xf32>
      %swap3A_220 = vector.shape_cast %div3A_211 : vector<16xf32> to vector<1x16xf32>
      tpu.vector_store %arg12[%swap3A_216, %swap3A_217], %swap3A_220 {strides = array<i32>} : memref<128x64xf32, #tpu.memory_space<vmem>>, vector<1x16xf32>,
      %div3A_221 = arith.divf %scan3A_163#6, %broadcast_in_dim3A_210 : vector<16xf32>
      %mul3A_222 = arith.constant 2 : i32
      %mul3A_223 = arith.muli %add3A_148, %mul3A_222 : i32
      %add3A_224 = arith.constant 1 : i32
      %add3A_225 = arith.addi %mul3A_223, %add3A_224 : i32
      %swap3A_226 = arith.index_cast %add3A_225 : i32 to index
      %swap3A_227 = arith.constant 16 : index
      %swap3A_228 = tpu.vector_load %arg12[%swap3A_226, %swap3A_227] {strides = array<i32>} : memref<128x64xf32, #tpu.memory_space<vmem>>, vector<1x16xf32>,
      %swap3A_229 = vector.shape_cast %swap3A_228 : vector<1x16xf32> to vector<16xf32>
      %swap3A_230 = vector.shape_cast %div3A_221 : vector<16xf32> to vector<1x16xf32>
      tpu.vector_store %arg12[%swap3A_226, %swap3A_227], %swap3A_230 {strides = array<i32>} : memref<128x64xf32, #tpu.memory_space<vmem>>, vector<1x16xf32>,
      %div3A_231 = arith.divf %scan3A_163#7, %broadcast_in_dim3A_210 : vector<16xf32>
      %mul3A_232 = arith.constant 2 : i32
      %mul3A_233 = arith.muli %add3A_148, %mul3A_232 : i32
      %add3A_234 = arith.constant 1 : i32
      %add3A_235 = arith.addi %mul3A_233, %add3A_234 : i32
      %swap3A_236 = arith.index_cast %add3A_235 : i32 to index
      %swap3A_237 = arith.constant 32 : index
      %swap3A_238 = tpu.vector_load %arg12[%swap3A_236, %swap3A_237] {strides = array<i32>} : memref<128x64xf32, #tpu.memory_space<vmem>>, vector<1x16xf32>,
      %swap3A_239 = vector.shape_cast %swap3A_238 : vector<1x16xf32> to vector<16xf32>
      %swap3A_240 = vector.shape_cast %div3A_231 : vector<16xf32> to vector<1x16xf32>
      tpu.vector_store %arg12[%swap3A_236, %swap3A_237], %swap3A_240 {strides = array<i32>} : memref<128x64xf32, #tpu.memory_space<vmem>>, vector<1x16xf32>,
      %div3A_241 = arith.divf %scan3A_163#8, %broadcast_in_dim3A_210 : vector<16xf32>
      %mul3A_242 = arith.constant 2 : i32
      %mul3A_243 = arith.muli %add3A_148, %mul3A_242 : i32
      %add3A_244 = arith.constant 1 : i32
      %add3A_245 = arith.addi %mul3A_243, %add3A_244 : i32
      %swap3A_246 = arith.index_cast %add3A_245 : i32 to index
      %swap3A_247 = arith.constant 48 : index
      %swap3A_248 = tpu.vector_load %arg12[%swap3A_246, %swap3A_247] {strides = array<i32>} : memref<128x64xf32, #tpu.memory_space<vmem>>, vector<1x16xf32>,
      %swap3A_249 = vector.shape_cast %swap3A_248 : vector<1x16xf32> to vector<16xf32>
      %swap3A_250 = vector.shape_cast %div3A_241 : vector<16xf32> to vector<1x16xf32>
      tpu.vector_store %arg12[%swap3A_246, %swap3A_247], %swap3A_250 {strides = array<i32>} : memref<128x64xf32, #tpu.memory_space<vmem>>, vector<1x16xf32>,
      %add3A_251 = arith.constant 4 : i32
      %add3A_252 = arith.addi %add3A_148, %add3A_251 : i32
      %lt3A_253 = arith.constant 64 : i32
      %lt3A_254 = arith.cmpi slt, %add3A_252, %lt3A_253 : i32
      %convert_element_type3A_255 = arith.extui %lt3A_254 : i1 to i32
      %cond3A_256 = arith.constant 0 : i32
      %cond3A_257 = arith.cmpi ne, %convert_element_type3A_255, %cond3A_256 : i32
      scf.if %cond3A_257 {
        %add3A_484 = arith.constant 4 : i32
        %add3A_485 = arith.addi %add3A_148, %add3A_484 : i32
        %dma_start3A_486 = arith.constant 0 : i32
        %dma_start3A_487 = tpu.memref_slice %arg6[%add3A_485, %dma_start3A_486] : memref<64x100xi32, #tpu.memory_space<vmem>> -> memref<1x100xi32, #tpu.memory_space<vmem>>
        %dma_start3A_488 = tpu.memref_squeeze %dma_start3A_487 : memref<1x100xi32, #tpu.memory_space<vmem>> -> memref<100xi32, #tpu.memory_space<vmem>>
        %dma_start3A_489 = arith.constant 0 : i32
        %dma_start3A_490 = arith.constant 0 : i32
        %dma_start3A_491 = tpu.memref_slice %arg4[%dma_start3A_489, %dma_start3A_490] : memref<1000000x128xf32, #tpu.memory_space<hbm>> -> memref<1000000x128xf32, #tpu.memory_space<hbm>>
        tpu.enqueue_indirect_dma source(%dma_start3A_491 : memref<1000000x128xf32, #tpu.memory_space<hbm>>) target(%arg9 : memref<100x128xf32, #tpu.memory_space<vmem>>) offsets(%dma_start3A_488 : memref<100xi32, #tpu.memory_space<vmem>>) semaphore(%arg14 : memref<!tpu.dma_semaphore, #tpu.memory_space<semaphore_mem>>)
      } else {
      }
      %mul3A_258 = arith.constant 4 : i32
      %mul3A_259 = arith.muli %mul3A_258, %scan3A_39 : i32
      %add3A_260 = arith.constant 2 : i32
      %add3A_261 = arith.addi %mul3A_259, %add3A_260 : i32
      %dma_wait3A_262 = arith.constant 0 : i32
      %dma_wait3A_263 = tpu.memref_slice %arg6[%add3A_261, %dma_wait3A_262] : memref<64x100xi32, #tpu.memory_space<vmem>> -> memref<1x100xi32, #tpu.memory_space<vmem>>
      %dma_wait3A_264 = tpu.memref_squeeze %dma_wait3A_263 : memref<1x100xi32, #tpu.memory_space<vmem>> -> memref<100xi32, #tpu.memory_space<vmem>>
      %dma_wait3A_265 = arith.constant 0 : i32
      %dma_wait3A_266 = arith.constant 0 : i32
      %dma_wait3A_267 = tpu.memref_slice %arg4[%dma_wait3A_265, %dma_wait3A_266] : memref<1000000x128xf32, #tpu.memory_space<hbm>> -> memref<1000000x128xf32, #tpu.memory_space<hbm>>
      tpu.wait_indirect_dma semaphore(%arg15 : memref<!tpu.dma_semaphore, #tpu.memory_space<semaphore_mem>>) src(%dma_wait3A_267 : memref<1000000x128xf32, #tpu.memory_space<hbm>>) dst(%arg10 : memref<100x128xf32, #tpu.memory_space<vmem>>)
      %broadcast_in_dim3A_268 = arith.constant 0.000000e+00 : f32
      %broadcast_in_dim3A_269 = vector.broadcast %broadcast_in_dim3A_268 : f32 to vector<16xf32>
      %scan3A_270 = arith.constant 0.000000e+00 : f32
      %scan3A_271 = arith.constant 0.000000e+00 : f32
      %scan3A_272 = arith.constant 0 : i32
      %scan3A_273 = arith.constant 50 : i32
      %scan3A_274 = arith.addi %scan3A_272, %scan3A_273 : i32
      %scan3A_275 = arith.constant 1 : i32
      %scan3A_276:10 = scf.for %scan3A_484 = %scan3A_272 to %scan3A_274 step %scan3A_275 iter_args(%scan3A_485 = %broadcast_in_dim3A_269, %scan3A_486 = %broadcast_in_dim3A_269, %scan3A_487 = %broadcast_in_dim3A_269, %scan3A_488 = %broadcast_in_dim3A_269, %scan3A_489 = %scan3A_270, %scan3A_490 = %broadcast_in_dim3A_269, %scan3A_491 = %broadcast_in_dim3A_269, %scan3A_492 = %broadcast_in_dim3A_269, %scan3A_493 = %broadcast_in_dim3A_269, %scan3A_494 = %scan3A_271) -> (vector<16xf32>, vector<16xf32>, vector<16xf32>, vector<16xf32>, f32, vector<16xf32>, vector<16xf32>, vector<16xf32>, vector<16xf32>, f32)  : i32 {
        %mul3A_495 = arith.constant 100 : i32
        %mul3A_496 = arith.muli %add3A_261, %mul3A_495 : i32
        %add3A_497 = arith.constant 0 : i32
        %add3A_498 = arith.addi %mul3A_496, %add3A_497 : i32
        %add3A_499 = arith.addi %add3A_498, %scan3A_484 : i32
        %get3A = arith.index_cast %add3A_499 : i32 to index
        %get3A_500 = tpu.vector_load %arg7[%get3A] {strides = array<i32>} : memref<6416xf32, #tpu.memory_space<vmem>>, vector<16xf32>,
        %get3A_501 = vector.shape_cast %get3A_500 : vector<16xf32> to vector<16xf32>
        %slice3A = vector.extract_strided_slice %get3A_501 {offsets = [0], sizes = [1], strides = [1]} : vector<16xf32> to vector<1xf32>
        %squeeze3A = vector.extract %slice3A[0] : f32 from vector<1xf32>
        %add3A_502 = arith.constant 0 : i32
        %add3A_503 = arith.addi %add3A_502, %scan3A_484 : i32
        %get3A_504 = arith.index_cast %add3A_503 : i32 to index
        %get3A_505 = arith.constant 0 : index
        %get3A_506 = tpu.vector_load %arg10[%get3A_504, %get3A_505] {strides = array<i32>} : memref<100x128xf32, #tpu.memory_space<vmem>>, vector<1x16xf32>,
        %get3A_507 = vector.shape_cast %get3A_506 : vector<1x16xf32> to vector<16xf32>
        %mul3A_508 = vector.broadcast %squeeze3A : f32 to vector<16xf32>
        %mul3A_509 = arith.mulf %get3A_507, %mul3A_508 : vector<16xf32>
        %add3A_510 = arith.addf %scan3A_485, %mul3A_509 : vector<16xf32>
        %get3A_511 = arith.index_cast %add3A_503 : i32 to index
        %get3A_512 = arith.constant 16 : index
        %get3A_513 = tpu.vector_load %arg10[%get3A_511, %get3A_512] {strides = array<i32>} : memref<100x128xf32, #tpu.memory_space<vmem>>, vector<1x16xf32>,
        %get3A_514 = vector.shape_cast %get3A_513 : vector<1x16xf32> to vector<16xf32>
        %mul3A_515 = vector.broadcast %squeeze3A : f32 to vector<16xf32>
        %mul3A_516 = arith.mulf %get3A_514, %mul3A_515 : vector<16xf32>
        %add3A_517 = arith.addf %scan3A_486, %mul3A_516 : vector<16xf32>
        %get3A_518 = arith.index_cast %add3A_503 : i32 to index
        %get3A_519 = arith.constant 32 : index
        %get3A_520 = tpu.vector_load %arg10[%get3A_518, %get3A_519] {strides = array<i32>} : memref<100x128xf32, #tpu.memory_space<vmem>>, vector<1x16xf32>,
        %get3A_521 = vector.shape_cast %get3A_520 : vector<1x16xf32> to vector<16xf32>
        %mul3A_522 = vector.broadcast %squeeze3A : f32 to vector<16xf32>
        %mul3A_523 = arith.mulf %get3A_521, %mul3A_522 : vector<16xf32>
        %add3A_524 = arith.addf %scan3A_487, %mul3A_523 : vector<16xf32>
        %get3A_525 = arith.index_cast %add3A_503 : i32 to index
        %get3A_526 = arith.constant 48 : index
        %get3A_527 = tpu.vector_load %arg10[%get3A_525, %get3A_526] {strides = array<i32>} : memref<100x128xf32, #tpu.memory_space<vmem>>, vector<1x16xf32>,
        %get3A_528 = vector.shape_cast %get3A_527 : vector<1x16xf32> to vector<16xf32>
        %mul3A_529 = vector.broadcast %squeeze3A : f32 to vector<16xf32>
        %mul3A_530 = arith.mulf %get3A_528, %mul3A_529 : vector<16xf32>
        %add3A_531 = arith.addf %scan3A_488, %mul3A_530 : vector<16xf32>
        %add3A_532 = arith.addf %scan3A_489, %squeeze3A : f32
        %mul3A_533 = arith.constant 100 : i32
        %mul3A_534 = arith.muli %add3A_261, %mul3A_533 : i32
        %add3A_535 = arith.constant 50 : i32
        %add3A_536 = arith.addi %mul3A_534, %add3A_535 : i32
        %add3A_537 = arith.addi %add3A_536, %scan3A_484 : i32
        %get3A_538 = arith.index_cast %add3A_537 : i32 to index
        %get3A_539 = tpu.vector_load %arg7[%get3A_538] {strides = array<i32>} : memref<6416xf32, #tpu.memory_space<vmem>>, vector<16xf32>,
        %get3A_540 = vector.shape_cast %get3A_539 : vector<16xf32> to vector<16xf32>
        %slice3A_541 = vector.extract_strided_slice %get3A_540 {offsets = [0], sizes = [1], strides = [1]} : vector<16xf32> to vector<1xf32>
        %squeeze3A_542 = vector.extract %slice3A_541[0] : f32 from vector<1xf32>
        %add3A_543 = arith.constant 50 : i32
        %add3A_544 = arith.addi %add3A_543, %scan3A_484 : i32
        %get3A_545 = arith.index_cast %add3A_544 : i32 to index
        %get3A_546 = arith.constant 0 : index
        %get3A_547 = tpu.vector_load %arg10[%get3A_545, %get3A_546] {strides = array<i32>} : memref<100x128xf32, #tpu.memory_space<vmem>>, vector<1x16xf32>,
        %get3A_548 = vector.shape_cast %get3A_547 : vector<1x16xf32> to vector<16xf32>
        %mul3A_549 = vector.broadcast %squeeze3A_542 : f32 to vector<16xf32>
        %mul3A_550 = arith.mulf %get3A_548, %mul3A_549 : vector<16xf32>
        %add3A_551 = arith.addf %scan3A_490, %mul3A_550 : vector<16xf32>
        %get3A_552 = arith.index_cast %add3A_544 : i32 to index
        %get3A_553 = arith.constant 16 : index
        %get3A_554 = tpu.vector_load %arg10[%get3A_552, %get3A_553] {strides = array<i32>} : memref<100x128xf32, #tpu.memory_space<vmem>>, vector<1x16xf32>,
        %get3A_555 = vector.shape_cast %get3A_554 : vector<1x16xf32> to vector<16xf32>
        %mul3A_556 = vector.broadcast %squeeze3A_542 : f32 to vector<16xf32>
        %mul3A_557 = arith.mulf %get3A_555, %mul3A_556 : vector<16xf32>
        %add3A_558 = arith.addf %scan3A_491, %mul3A_557 : vector<16xf32>
        %get3A_559 = arith.index_cast %add3A_544 : i32 to index
        %get3A_560 = arith.constant 32 : index
        %get3A_561 = tpu.vector_load %arg10[%get3A_559, %get3A_560] {strides = array<i32>} : memref<100x128xf32, #tpu.memory_space<vmem>>, vector<1x16xf32>,
        %get3A_562 = vector.shape_cast %get3A_561 : vector<1x16xf32> to vector<16xf32>
        %mul3A_563 = vector.broadcast %squeeze3A_542 : f32 to vector<16xf32>
        %mul3A_564 = arith.mulf %get3A_562, %mul3A_563 : vector<16xf32>
        %add3A_565 = arith.addf %scan3A_492, %mul3A_564 : vector<16xf32>
        %get3A_566 = arith.index_cast %add3A_544 : i32 to index
        %get3A_567 = arith.constant 48 : index
        %get3A_568 = tpu.vector_load %arg10[%get3A_566, %get3A_567] {strides = array<i32>} : memref<100x128xf32, #tpu.memory_space<vmem>>, vector<1x16xf32>,
        %get3A_569 = vector.shape_cast %get3A_568 : vector<1x16xf32> to vector<16xf32>
        %mul3A_570 = vector.broadcast %squeeze3A_542 : f32 to vector<16xf32>
        %mul3A_571 = arith.mulf %get3A_569, %mul3A_570 : vector<16xf32>
        %add3A_572 = arith.addf %scan3A_493, %mul3A_571 : vector<16xf32>
        %add3A_573 = arith.addf %scan3A_494, %squeeze3A_542 : f32
        scf.yield %add3A_510, %add3A_517, %add3A_524, %add3A_531, %add3A_532, %add3A_551, %add3A_558, %add3A_565, %add3A_572, %add3A_573 : vector<16xf32>, vector<16xf32>, vector<16xf32>, vector<16xf32>, f32, vector<16xf32>, vector<16xf32>, vector<16xf32>, vector<16xf32>, f32
      }
      %scan3A_277 = arith.constant 50 : i32
      %max3A_278 = arith.constant 1.000000e+00 : f32
      %max3A_279 = arith.maximumf %scan3A_276#4, %max3A_278 : f32
      %broadcast_in_dim3A_280 = vector.broadcast %max3A_279 : f32 to vector<16xf32>
      %div3A_281 = arith.divf %scan3A_276#0, %broadcast_in_dim3A_280 : vector<16xf32>
      %mul3A_282 = arith.constant 2 : i32
      %mul3A_283 = arith.muli %add3A_261, %mul3A_282 : i32
      %add3A_284 = arith.constant 0 : i32
      %add3A_285 = arith.addi %mul3A_283, %add3A_284 : i32
      %swap3A_286 = arith.index_cast %add3A_285 : i32 to index
      %swap3A_287 = arith.constant 0 : index
      %swap3A_288 = tpu.vector_load %arg12[%swap3A_286, %swap3A_287] {strides = array<i32>} : memref<128x64xf32, #tpu.memory_space<vmem>>, vector<1x16xf32>,
      %swap3A_289 = vector.shape_cast %swap3A_288 : vector<1x16xf32> to vector<16xf32>
      %swap3A_290 = vector.shape_cast %div3A_281 : vector<16xf32> to vector<1x16xf32>
      tpu.vector_store %arg12[%swap3A_286, %swap3A_287], %swap3A_290 {strides = array<i32>} : memref<128x64xf32, #tpu.memory_space<vmem>>, vector<1x16xf32>,
      %div3A_291 = arith.divf %scan3A_276#1, %broadcast_in_dim3A_280 : vector<16xf32>
      %mul3A_292 = arith.constant 2 : i32
      %mul3A_293 = arith.muli %add3A_261, %mul3A_292 : i32
      %add3A_294 = arith.constant 0 : i32
      %add3A_295 = arith.addi %mul3A_293, %add3A_294 : i32
      %swap3A_296 = arith.index_cast %add3A_295 : i32 to index
      %swap3A_297 = arith.constant 16 : index
      %swap3A_298 = tpu.vector_load %arg12[%swap3A_296, %swap3A_297] {strides = array<i32>} : memref<128x64xf32, #tpu.memory_space<vmem>>, vector<1x16xf32>,
      %swap3A_299 = vector.shape_cast %swap3A_298 : vector<1x16xf32> to vector<16xf32>
      %swap3A_300 = vector.shape_cast %div3A_291 : vector<16xf32> to vector<1x16xf32>
      tpu.vector_store %arg12[%swap3A_296, %swap3A_297], %swap3A_300 {strides = array<i32>} : memref<128x64xf32, #tpu.memory_space<vmem>>, vector<1x16xf32>,
      %div3A_301 = arith.divf %scan3A_276#2, %broadcast_in_dim3A_280 : vector<16xf32>
      %mul3A_302 = arith.constant 2 : i32
      %mul3A_303 = arith.muli %add3A_261, %mul3A_302 : i32
      %add3A_304 = arith.constant 0 : i32
      %add3A_305 = arith.addi %mul3A_303, %add3A_304 : i32
      %swap3A_306 = arith.index_cast %add3A_305 : i32 to index
      %swap3A_307 = arith.constant 32 : index
      %swap3A_308 = tpu.vector_load %arg12[%swap3A_306, %swap3A_307] {strides = array<i32>} : memref<128x64xf32, #tpu.memory_space<vmem>>, vector<1x16xf32>,
      %swap3A_309 = vector.shape_cast %swap3A_308 : vector<1x16xf32> to vector<16xf32>
      %swap3A_310 = vector.shape_cast %div3A_301 : vector<16xf32> to vector<1x16xf32>
      tpu.vector_store %arg12[%swap3A_306, %swap3A_307], %swap3A_310 {strides = array<i32>} : memref<128x64xf32, #tpu.memory_space<vmem>>, vector<1x16xf32>,
      %div3A_311 = arith.divf %scan3A_276#3, %broadcast_in_dim3A_280 : vector<16xf32>
      %mul3A_312 = arith.constant 2 : i32
      %mul3A_313 = arith.muli %add3A_261, %mul3A_312 : i32
      %add3A_314 = arith.constant 0 : i32
      %add3A_315 = arith.addi %mul3A_313, %add3A_314 : i32
      %swap3A_316 = arith.index_cast %add3A_315 : i32 to index
      %swap3A_317 = arith.constant 48 : index
      %swap3A_318 = tpu.vector_load %arg12[%swap3A_316, %swap3A_317] {strides = array<i32>} : memref<128x64xf32, #tpu.memory_space<vmem>>, vector<1x16xf32>,
      %swap3A_319 = vector.shape_cast %swap3A_318 : vector<1x16xf32> to vector<16xf32>
      %swap3A_320 = vector.shape_cast %div3A_311 : vector<16xf32> to vector<1x16xf32>
      tpu.vector_store %arg12[%swap3A_316, %swap3A_317], %swap3A_320 {strides = array<i32>} : memref<128x64xf32, #tpu.memory_space<vmem>>, vector<1x16xf32>,
      %max3A_321 = arith.constant 1.000000e+00 : f32
      %max3A_322 = arith.maximumf %scan3A_276#9, %max3A_321 : f32
      %broadcast_in_dim3A_323 = vector.broadcast %max3A_322 : f32 to vector<16xf32>
      %div3A_324 = arith.divf %scan3A_276#5, %broadcast_in_dim3A_323 : vector<16xf32>
      %mul3A_325 = arith.constant 2 : i32
      %mul3A_326 = arith.muli %add3A_261, %mul3A_325 : i32
      %add3A_327 = arith.constant 1 : i32
      %add3A_328 = arith.addi %mul3A_326, %add3A_327 : i32
      %swap3A_329 = arith.index_cast %add3A_328 : i32 to index
      %swap3A_330 = arith.constant 0 : index
      %swap3A_331 = tpu.vector_load %arg12[%swap3A_329, %swap3A_330] {strides = array<i32>} : memref<128x64xf32, #tpu.memory_space<vmem>>, vector<1x16xf32>,
      %swap3A_332 = vector.shape_cast %swap3A_331 : vector<1x16xf32> to vector<16xf32>
      %swap3A_333 = vector.shape_cast %div3A_324 : vector<16xf32> to vector<1x16xf32>
      tpu.vector_store %arg12[%swap3A_329, %swap3A_330], %swap3A_333 {strides = array<i32>} : memref<128x64xf32, #tpu.memory_space<vmem>>, vector<1x16xf32>,
      %div3A_334 = arith.divf %scan3A_276#6, %broadcast_in_dim3A_323 : vector<16xf32>
      %mul3A_335 = arith.constant 2 : i32
      %mul3A_336 = arith.muli %add3A_261, %mul3A_335 : i32
      %add3A_337 = arith.constant 1 : i32
      %add3A_338 = arith.addi %mul3A_336, %add3A_337 : i32
      %swap3A_339 = arith.index_cast %add3A_338 : i32 to index
      %swap3A_340 = arith.constant 16 : index
      %swap3A_341 = tpu.vector_load %arg12[%swap3A_339, %swap3A_340] {strides = array<i32>} : memref<128x64xf32, #tpu.memory_space<vmem>>, vector<1x16xf32>,
      %swap3A_342 = vector.shape_cast %swap3A_341 : vector<1x16xf32> to vector<16xf32>
      %swap3A_343 = vector.shape_cast %div3A_334 : vector<16xf32> to vector<1x16xf32>
      tpu.vector_store %arg12[%swap3A_339, %swap3A_340], %swap3A_343 {strides = array<i32>} : memref<128x64xf32, #tpu.memory_space<vmem>>, vector<1x16xf32>,
      %div3A_344 = arith.divf %scan3A_276#7, %broadcast_in_dim3A_323 : vector<16xf32>
      %mul3A_345 = arith.constant 2 : i32
      %mul3A_346 = arith.muli %add3A_261, %mul3A_345 : i32
      %add3A_347 = arith.constant 1 : i32
      %add3A_348 = arith.addi %mul3A_346, %add3A_347 : i32
      %swap3A_349 = arith.index_cast %add3A_348 : i32 to index
      %swap3A_350 = arith.constant 32 : index
      %swap3A_351 = tpu.vector_load %arg12[%swap3A_349, %swap3A_350] {strides = array<i32>} : memref<128x64xf32, #tpu.memory_space<vmem>>, vector<1x16xf32>,
      %swap3A_352 = vector.shape_cast %swap3A_351 : vector<1x16xf32> to vector<16xf32>
      %swap3A_353 = vector.shape_cast %div3A_344 : vector<16xf32> to vector<1x16xf32>
      tpu.vector_store %arg12[%swap3A_349, %swap3A_350], %swap3A_353 {strides = array<i32>} : memref<128x64xf32, #tpu.memory_space<vmem>>, vector<1x16xf32>,
      %div3A_354 = arith.divf %scan3A_276#8, %broadcast_in_dim3A_323 : vector<16xf32>
      %mul3A_355 = arith.constant 2 : i32
      %mul3A_356 = arith.muli %add3A_261, %mul3A_355 : i32
      %add3A_357 = arith.constant 1 : i32
      %add3A_358 = arith.addi %mul3A_356, %add3A_357 : i32
      %swap3A_359 = arith.index_cast %add3A_358 : i32 to index
      %swap3A_360 = arith.constant 48 : index
      %swap3A_361 = tpu.vector_load %arg12[%swap3A_359, %swap3A_360] {strides = array<i32>} : memref<128x64xf32, #tpu.memory_space<vmem>>, vector<1x16xf32>,
      %swap3A_362 = vector.shape_cast %swap3A_361 : vector<1x16xf32> to vector<16xf32>
      %swap3A_363 = vector.shape_cast %div3A_354 : vector<16xf32> to vector<1x16xf32>
      tpu.vector_store %arg12[%swap3A_359, %swap3A_360], %swap3A_363 {strides = array<i32>} : memref<128x64xf32, #tpu.memory_space<vmem>>, vector<1x16xf32>,
      %add3A_364 = arith.constant 4 : i32
      %add3A_365 = arith.addi %add3A_261, %add3A_364 : i32
      %lt3A_366 = arith.constant 64 : i32
      %lt3A_367 = arith.cmpi slt, %add3A_365, %lt3A_366 : i32
      %convert_element_type3A_368 = arith.extui %lt3A_367 : i1 to i32
      %cond3A_369 = arith.constant 0 : i32
      %cond3A_370 = arith.cmpi ne, %convert_element_type3A_368, %cond3A_369 : i32
      scf.if %cond3A_370 {
        %add3A_484 = arith.constant 4 : i32
        %add3A_485 = arith.addi %add3A_261, %add3A_484 : i32
        %dma_start3A_486 = arith.constant 0 : i32
        %dma_start3A_487 = tpu.memref_slice %arg6[%add3A_485, %dma_start3A_486] : memref<64x100xi32, #tpu.memory_space<vmem>> -> memref<1x100xi32, #tpu.memory_space<vmem>>
        %dma_start3A_488 = tpu.memref_squeeze %dma_start3A_487 : memref<1x100xi32, #tpu.memory_space<vmem>> -> memref<100xi32, #tpu.memory_space<vmem>>
        %dma_start3A_489 = arith.constant 0 : i32
        %dma_start3A_490 = arith.constant 0 : i32
        %dma_start3A_491 = tpu.memref_slice %arg4[%dma_start3A_489, %dma_start3A_490] : memref<1000000x128xf32, #tpu.memory_space<hbm>> -> memref<1000000x128xf32, #tpu.memory_space<hbm>>
        tpu.enqueue_indirect_dma source(%dma_start3A_491 : memref<1000000x128xf32, #tpu.memory_space<hbm>>) target(%arg10 : memref<100x128xf32, #tpu.memory_space<vmem>>) offsets(%dma_start3A_488 : memref<100xi32, #tpu.memory_space<vmem>>) semaphore(%arg15 : memref<!tpu.dma_semaphore, #tpu.memory_space<semaphore_mem>>)
      } else {
      }
      %mul3A_371 = arith.constant 4 : i32
      %mul3A_372 = arith.muli %mul3A_371, %scan3A_39 : i32
      %add3A_373 = arith.constant 3 : i32
      %add3A_374 = arith.addi %mul3A_372, %add3A_373 : i32
      %dma_wait3A_375 = arith.constant 0 : i32
      %dma_wait3A_376 = tpu.memref_slice %arg6[%add3A_374, %dma_wait3A_375] : memref<64x100xi32, #tpu.memory_space<vmem>> -> memref<1x100xi32, #tpu.memory_space<vmem>>
      %dma_wait3A_377 = tpu.memref_squeeze %dma_wait3A_376 : memref<1x100xi32, #tpu.memory_space<vmem>> -> memref<100xi32, #tpu.memory_space<vmem>>
      %dma_wait3A_378 = arith.constant 0 : i32
      %dma_wait3A_379 = arith.constant 0 : i32
      %dma_wait3A_380 = tpu.memref_slice %arg4[%dma_wait3A_378, %dma_wait3A_379] : memref<1000000x128xf32, #tpu.memory_space<hbm>> -> memref<1000000x128xf32, #tpu.memory_space<hbm>>
      tpu.wait_indirect_dma semaphore(%arg16 : memref<!tpu.dma_semaphore, #tpu.memory_space<semaphore_mem>>) src(%dma_wait3A_380 : memref<1000000x128xf32, #tpu.memory_space<hbm>>) dst(%arg11 : memref<100x128xf32, #tpu.memory_space<vmem>>)
      %broadcast_in_dim3A_381 = arith.constant 0.000000e+00 : f32
      %broadcast_in_dim3A_382 = vector.broadcast %broadcast_in_dim3A_381 : f32 to vector<16xf32>
      %scan3A_383 = arith.constant 0.000000e+00 : f32
      %scan3A_384 = arith.constant 0.000000e+00 : f32
      %scan3A_385 = arith.constant 0 : i32
      %scan3A_386 = arith.constant 50 : i32
      %scan3A_387 = arith.addi %scan3A_385, %scan3A_386 : i32
      %scan3A_388 = arith.constant 1 : i32
      %scan3A_389:10 = scf.for %scan3A_484 = %scan3A_385 to %scan3A_387 step %scan3A_388 iter_args(%scan3A_485 = %broadcast_in_dim3A_382, %scan3A_486 = %broadcast_in_dim3A_382, %scan3A_487 = %broadcast_in_dim3A_382, %scan3A_488 = %broadcast_in_dim3A_382, %scan3A_489 = %scan3A_383, %scan3A_490 = %broadcast_in_dim3A_382, %scan3A_491 = %broadcast_in_dim3A_382, %scan3A_492 = %broadcast_in_dim3A_382, %scan3A_493 = %broadcast_in_dim3A_382, %scan3A_494 = %scan3A_384) -> (vector<16xf32>, vector<16xf32>, vector<16xf32>, vector<16xf32>, f32, vector<16xf32>, vector<16xf32>, vector<16xf32>, vector<16xf32>, f32)  : i32 {
        %mul3A_495 = arith.constant 100 : i32
        %mul3A_496 = arith.muli %add3A_374, %mul3A_495 : i32
        %add3A_497 = arith.constant 0 : i32
        %add3A_498 = arith.addi %mul3A_496, %add3A_497 : i32
        %add3A_499 = arith.addi %add3A_498, %scan3A_484 : i32
        %get3A = arith.index_cast %add3A_499 : i32 to index
        %get3A_500 = tpu.vector_load %arg7[%get3A] {strides = array<i32>} : memref<6416xf32, #tpu.memory_space<vmem>>, vector<16xf32>,
        %get3A_501 = vector.shape_cast %get3A_500 : vector<16xf32> to vector<16xf32>
        %slice3A = vector.extract_strided_slice %get3A_501 {offsets = [0], sizes = [1], strides = [1]} : vector<16xf32> to vector<1xf32>
        %squeeze3A = vector.extract %slice3A[0] : f32 from vector<1xf32>
        %add3A_502 = arith.constant 0 : i32
        %add3A_503 = arith.addi %add3A_502, %scan3A_484 : i32
        %get3A_504 = arith.index_cast %add3A_503 : i32 to index
        %get3A_505 = arith.constant 0 : index
        %get3A_506 = tpu.vector_load %arg11[%get3A_504, %get3A_505] {strides = array<i32>} : memref<100x128xf32, #tpu.memory_space<vmem>>, vector<1x16xf32>,
        %get3A_507 = vector.shape_cast %get3A_506 : vector<1x16xf32> to vector<16xf32>
        %mul3A_508 = vector.broadcast %squeeze3A : f32 to vector<16xf32>
        %mul3A_509 = arith.mulf %get3A_507, %mul3A_508 : vector<16xf32>
        %add3A_510 = arith.addf %scan3A_485, %mul3A_509 : vector<16xf32>
        %get3A_511 = arith.index_cast %add3A_503 : i32 to index
        %get3A_512 = arith.constant 16 : index
        %get3A_513 = tpu.vector_load %arg11[%get3A_511, %get3A_512] {strides = array<i32>} : memref<100x128xf32, #tpu.memory_space<vmem>>, vector<1x16xf32>,
        %get3A_514 = vector.shape_cast %get3A_513 : vector<1x16xf32> to vector<16xf32>
        %mul3A_515 = vector.broadcast %squeeze3A : f32 to vector<16xf32>
        %mul3A_516 = arith.mulf %get3A_514, %mul3A_515 : vector<16xf32>
        %add3A_517 = arith.addf %scan3A_486, %mul3A_516 : vector<16xf32>
        %get3A_518 = arith.index_cast %add3A_503 : i32 to index
        %get3A_519 = arith.constant 32 : index
        %get3A_520 = tpu.vector_load %arg11[%get3A_518, %get3A_519] {strides = array<i32>} : memref<100x128xf32, #tpu.memory_space<vmem>>, vector<1x16xf32>,
        %get3A_521 = vector.shape_cast %get3A_520 : vector<1x16xf32> to vector<16xf32>
        %mul3A_522 = vector.broadcast %squeeze3A : f32 to vector<16xf32>
        %mul3A_523 = arith.mulf %get3A_521, %mul3A_522 : vector<16xf32>
        %add3A_524 = arith.addf %scan3A_487, %mul3A_523 : vector<16xf32>
        %get3A_525 = arith.index_cast %add3A_503 : i32 to index
        %get3A_526 = arith.constant 48 : index
        %get3A_527 = tpu.vector_load %arg11[%get3A_525, %get3A_526] {strides = array<i32>} : memref<100x128xf32, #tpu.memory_space<vmem>>, vector<1x16xf32>,
        %get3A_528 = vector.shape_cast %get3A_527 : vector<1x16xf32> to vector<16xf32>
        %mul3A_529 = vector.broadcast %squeeze3A : f32 to vector<16xf32>
        %mul3A_530 = arith.mulf %get3A_528, %mul3A_529 : vector<16xf32>
        %add3A_531 = arith.addf %scan3A_488, %mul3A_530 : vector<16xf32>
        %add3A_532 = arith.addf %scan3A_489, %squeeze3A : f32
        %mul3A_533 = arith.constant 100 : i32
        %mul3A_534 = arith.muli %add3A_374, %mul3A_533 : i32
        %add3A_535 = arith.constant 50 : i32
        %add3A_536 = arith.addi %mul3A_534, %add3A_535 : i32
        %add3A_537 = arith.addi %add3A_536, %scan3A_484 : i32
        %get3A_538 = arith.index_cast %add3A_537 : i32 to index
        %get3A_539 = tpu.vector_load %arg7[%get3A_538] {strides = array<i32>} : memref<6416xf32, #tpu.memory_space<vmem>>, vector<16xf32>,
        %get3A_540 = vector.shape_cast %get3A_539 : vector<16xf32> to vector<16xf32>
        %slice3A_541 = vector.extract_strided_slice %get3A_540 {offsets = [0], sizes = [1], strides = [1]} : vector<16xf32> to vector<1xf32>
        %squeeze3A_542 = vector.extract %slice3A_541[0] : f32 from vector<1xf32>
        %add3A_543 = arith.constant 50 : i32
        %add3A_544 = arith.addi %add3A_543, %scan3A_484 : i32
        %get3A_545 = arith.index_cast %add3A_544 : i32 to index
        %get3A_546 = arith.constant 0 : index
        %get3A_547 = tpu.vector_load %arg11[%get3A_545, %get3A_546] {strides = array<i32>} : memref<100x128xf32, #tpu.memory_space<vmem>>, vector<1x16xf32>,
        %get3A_548 = vector.shape_cast %get3A_547 : vector<1x16xf32> to vector<16xf32>
        %mul3A_549 = vector.broadcast %squeeze3A_542 : f32 to vector<16xf32>
        %mul3A_550 = arith.mulf %get3A_548, %mul3A_549 : vector<16xf32>
        %add3A_551 = arith.addf %scan3A_490, %mul3A_550 : vector<16xf32>
        %get3A_552 = arith.index_cast %add3A_544 : i32 to index
        %get3A_553 = arith.constant 16 : index
        %get3A_554 = tpu.vector_load %arg11[%get3A_552, %get3A_553] {strides = array<i32>} : memref<100x128xf32, #tpu.memory_space<vmem>>, vector<1x16xf32>,
        %get3A_555 = vector.shape_cast %get3A_554 : vector<1x16xf32> to vector<16xf32>
        %mul3A_556 = vector.broadcast %squeeze3A_542 : f32 to vector<16xf32>
        %mul3A_557 = arith.mulf %get3A_555, %mul3A_556 : vector<16xf32>
        %add3A_558 = arith.addf %scan3A_491, %mul3A_557 : vector<16xf32>
        %get3A_559 = arith.index_cast %add3A_544 : i32 to index
        %get3A_560 = arith.constant 32 : index
        %get3A_561 = tpu.vector_load %arg11[%get3A_559, %get3A_560] {strides = array<i32>} : memref<100x128xf32, #tpu.memory_space<vmem>>, vector<1x16xf32>,
        %get3A_562 = vector.shape_cast %get3A_561 : vector<1x16xf32> to vector<16xf32>
        %mul3A_563 = vector.broadcast %squeeze3A_542 : f32 to vector<16xf32>
        %mul3A_564 = arith.mulf %get3A_562, %mul3A_563 : vector<16xf32>
        %add3A_565 = arith.addf %scan3A_492, %mul3A_564 : vector<16xf32>
        %get3A_566 = arith.index_cast %add3A_544 : i32 to index
        %get3A_567 = arith.constant 48 : index
        %get3A_568 = tpu.vector_load %arg11[%get3A_566, %get3A_567] {strides = array<i32>} : memref<100x128xf32, #tpu.memory_space<vmem>>, vector<1x16xf32>,
        %get3A_569 = vector.shape_cast %get3A_568 : vector<1x16xf32> to vector<16xf32>
        %mul3A_570 = vector.broadcast %squeeze3A_542 : f32 to vector<16xf32>
        %mul3A_571 = arith.mulf %get3A_569, %mul3A_570 : vector<16xf32>
        %add3A_572 = arith.addf %scan3A_493, %mul3A_571 : vector<16xf32>
        %add3A_573 = arith.addf %scan3A_494, %squeeze3A_542 : f32
        scf.yield %add3A_510, %add3A_517, %add3A_524, %add3A_531, %add3A_532, %add3A_551, %add3A_558, %add3A_565, %add3A_572, %add3A_573 : vector<16xf32>, vector<16xf32>, vector<16xf32>, vector<16xf32>, f32, vector<16xf32>, vector<16xf32>, vector<16xf32>, vector<16xf32>, f32
      }
      %scan3A_390 = arith.constant 50 : i32
      %max3A_391 = arith.constant 1.000000e+00 : f32
      %max3A_392 = arith.maximumf %scan3A_389#4, %max3A_391 : f32
      %broadcast_in_dim3A_393 = vector.broadcast %max3A_392 : f32 to vector<16xf32>
      %div3A_394 = arith.divf %scan3A_389#0, %broadcast_in_dim3A_393 : vector<16xf32>
      %mul3A_395 = arith.constant 2 : i32
      %mul3A_396 = arith.muli %add3A_374, %mul3A_395 : i32
      %add3A_397 = arith.constant 0 : i32
      %add3A_398 = arith.addi %mul3A_396, %add3A_397 : i32
      %swap3A_399 = arith.index_cast %add3A_398 : i32 to index
      %swap3A_400 = arith.constant 0 : index
      %swap3A_401 = tpu.vector_load %arg12[%swap3A_399, %swap3A_400] {strides = array<i32>} : memref<128x64xf32, #tpu.memory_space<vmem>>, vector<1x16xf32>,
      %swap3A_402 = vector.shape_cast %swap3A_401 : vector<1x16xf32> to vector<16xf32>
      %swap3A_403 = vector.shape_cast %div3A_394 : vector<16xf32> to vector<1x16xf32>
      tpu.vector_store %arg12[%swap3A_399, %swap3A_400], %swap3A_403 {strides = array<i32>} : memref<128x64xf32, #tpu.memory_space<vmem>>, vector<1x16xf32>,
      %div3A_404 = arith.divf %scan3A_389#1, %broadcast_in_dim3A_393 : vector<16xf32>
      %mul3A_405 = arith.constant 2 : i32
      %mul3A_406 = arith.muli %add3A_374, %mul3A_405 : i32
      %add3A_407 = arith.constant 0 : i32
      %add3A_408 = arith.addi %mul3A_406, %add3A_407 : i32
      %swap3A_409 = arith.index_cast %add3A_408 : i32 to index
      %swap3A_410 = arith.constant 16 : index
      %swap3A_411 = tpu.vector_load %arg12[%swap3A_409, %swap3A_410] {strides = array<i32>} : memref<128x64xf32, #tpu.memory_space<vmem>>, vector<1x16xf32>,
      %swap3A_412 = vector.shape_cast %swap3A_411 : vector<1x16xf32> to vector<16xf32>
      %swap3A_413 = vector.shape_cast %div3A_404 : vector<16xf32> to vector<1x16xf32>
      tpu.vector_store %arg12[%swap3A_409, %swap3A_410], %swap3A_413 {strides = array<i32>} : memref<128x64xf32, #tpu.memory_space<vmem>>, vector<1x16xf32>,
      %div3A_414 = arith.divf %scan3A_389#2, %broadcast_in_dim3A_393 : vector<16xf32>
      %mul3A_415 = arith.constant 2 : i32
      %mul3A_416 = arith.muli %add3A_374, %mul3A_415 : i32
      %add3A_417 = arith.constant 0 : i32
      %add3A_418 = arith.addi %mul3A_416, %add3A_417 : i32
      %swap3A_419 = arith.index_cast %add3A_418 : i32 to index
      %swap3A_420 = arith.constant 32 : index
      %swap3A_421 = tpu.vector_load %arg12[%swap3A_419, %swap3A_420] {strides = array<i32>} : memref<128x64xf32, #tpu.memory_space<vmem>>, vector<1x16xf32>,
      %swap3A_422 = vector.shape_cast %swap3A_421 : vector<1x16xf32> to vector<16xf32>
      %swap3A_423 = vector.shape_cast %div3A_414 : vector<16xf32> to vector<1x16xf32>
      tpu.vector_store %arg12[%swap3A_419, %swap3A_420], %swap3A_423 {strides = array<i32>} : memref<128x64xf32, #tpu.memory_space<vmem>>, vector<1x16xf32>,
      %div3A_424 = arith.divf %scan3A_389#3, %broadcast_in_dim3A_393 : vector<16xf32>
      %mul3A_425 = arith.constant 2 : i32
      %mul3A_426 = arith.muli %add3A_374, %mul3A_425 : i32
      %add3A_427 = arith.constant 0 : i32
      %add3A_428 = arith.addi %mul3A_426, %add3A_427 : i32
      %swap3A_429 = arith.index_cast %add3A_428 : i32 to index
      %swap3A_430 = arith.constant 48 : index
      %swap3A_431 = tpu.vector_load %arg12[%swap3A_429, %swap3A_430] {strides = array<i32>} : memref<128x64xf32, #tpu.memory_space<vmem>>, vector<1x16xf32>,
      %swap3A_432 = vector.shape_cast %swap3A_431 : vector<1x16xf32> to vector<16xf32>
      %swap3A_433 = vector.shape_cast %div3A_424 : vector<16xf32> to vector<1x16xf32>
      tpu.vector_store %arg12[%swap3A_429, %swap3A_430], %swap3A_433 {strides = array<i32>} : memref<128x64xf32, #tpu.memory_space<vmem>>, vector<1x16xf32>,
      %max3A_434 = arith.constant 1.000000e+00 : f32
      %max3A_435 = arith.maximumf %scan3A_389#9, %max3A_434 : f32
      %broadcast_in_dim3A_436 = vector.broadcast %max3A_435 : f32 to vector<16xf32>
      %div3A_437 = arith.divf %scan3A_389#5, %broadcast_in_dim3A_436 : vector<16xf32>
      %mul3A_438 = arith.constant 2 : i32
      %mul3A_439 = arith.muli %add3A_374, %mul3A_438 : i32
      %add3A_440 = arith.constant 1 : i32
      %add3A_441 = arith.addi %mul3A_439, %add3A_440 : i32
      %swap3A_442 = arith.index_cast %add3A_441 : i32 to index
      %swap3A_443 = arith.constant 0 : index
      %swap3A_444 = tpu.vector_load %arg12[%swap3A_442, %swap3A_443] {strides = array<i32>} : memref<128x64xf32, #tpu.memory_space<vmem>>, vector<1x16xf32>,
      %swap3A_445 = vector.shape_cast %swap3A_444 : vector<1x16xf32> to vector<16xf32>
      %swap3A_446 = vector.shape_cast %div3A_437 : vector<16xf32> to vector<1x16xf32>
      tpu.vector_store %arg12[%swap3A_442, %swap3A_443], %swap3A_446 {strides = array<i32>} : memref<128x64xf32, #tpu.memory_space<vmem>>, vector<1x16xf32>,
      %div3A_447 = arith.divf %scan3A_389#6, %broadcast_in_dim3A_436 : vector<16xf32>
      %mul3A_448 = arith.constant 2 : i32
      %mul3A_449 = arith.muli %add3A_374, %mul3A_448 : i32
      %add3A_450 = arith.constant 1 : i32
      %add3A_451 = arith.addi %mul3A_449, %add3A_450 : i32
      %swap3A_452 = arith.index_cast %add3A_451 : i32 to index
      %swap3A_453 = arith.constant 16 : index
      %swap3A_454 = tpu.vector_load %arg12[%swap3A_452, %swap3A_453] {strides = array<i32>} : memref<128x64xf32, #tpu.memory_space<vmem>>, vector<1x16xf32>,
      %swap3A_455 = vector.shape_cast %swap3A_454 : vector<1x16xf32> to vector<16xf32>
      %swap3A_456 = vector.shape_cast %div3A_447 : vector<16xf32> to vector<1x16xf32>
      tpu.vector_store %arg12[%swap3A_452, %swap3A_453], %swap3A_456 {strides = array<i32>} : memref<128x64xf32, #tpu.memory_space<vmem>>, vector<1x16xf32>,
      %div3A_457 = arith.divf %scan3A_389#7, %broadcast_in_dim3A_436 : vector<16xf32>
      %mul3A_458 = arith.constant 2 : i32
      %mul3A_459 = arith.muli %add3A_374, %mul3A_458 : i32
      %add3A_460 = arith.constant 1 : i32
      %add3A_461 = arith.addi %mul3A_459, %add3A_460 : i32
      %swap3A_462 = arith.index_cast %add3A_461 : i32 to index
      %swap3A_463 = arith.constant 32 : index
      %swap3A_464 = tpu.vector_load %arg12[%swap3A_462, %swap3A_463] {strides = array<i32>} : memref<128x64xf32, #tpu.memory_space<vmem>>, vector<1x16xf32>,
      %swap3A_465 = vector.shape_cast %swap3A_464 : vector<1x16xf32> to vector<16xf32>
      %swap3A_466 = vector.shape_cast %div3A_457 : vector<16xf32> to vector<1x16xf32>
      tpu.vector_store %arg12[%swap3A_462, %swap3A_463], %swap3A_466 {strides = array<i32>} : memref<128x64xf32, #tpu.memory_space<vmem>>, vector<1x16xf32>,
      %div3A_467 = arith.divf %scan3A_389#8, %broadcast_in_dim3A_436 : vector<16xf32>
      %mul3A_468 = arith.constant 2 : i32
      %mul3A_469 = arith.muli %add3A_374, %mul3A_468 : i32
      %add3A_470 = arith.constant 1 : i32
      %add3A_471 = arith.addi %mul3A_469, %add3A_470 : i32
      %swap3A_472 = arith.index_cast %add3A_471 : i32 to index
      %swap3A_473 = arith.constant 48 : index
      %swap3A_474 = tpu.vector_load %arg12[%swap3A_472, %swap3A_473] {strides = array<i32>} : memref<128x64xf32, #tpu.memory_space<vmem>>, vector<1x16xf32>,
      %swap3A_475 = vector.shape_cast %swap3A_474 : vector<1x16xf32> to vector<16xf32>
      %swap3A_476 = vector.shape_cast %div3A_467 : vector<16xf32> to vector<1x16xf32>
      tpu.vector_store %arg12[%swap3A_472, %swap3A_473], %swap3A_476 {strides = array<i32>} : memref<128x64xf32, #tpu.memory_space<vmem>>, vector<1x16xf32>,
      %add3A_477 = arith.constant 4 : i32
      %add3A_478 = arith.addi %add3A_374, %add3A_477 : i32
      %lt3A_479 = arith.constant 64 : i32
      %lt3A_480 = arith.cmpi slt, %add3A_478, %lt3A_479 : i32
      %convert_element_type3A_481 = arith.extui %lt3A_480 : i1 to i32
      %cond3A_482 = arith.constant 0 : i32
      %cond3A_483 = arith.cmpi ne, %convert_element_type3A_481, %cond3A_482 : i32
      scf.if %cond3A_483 {
        %add3A_484 = arith.constant 4 : i32
        %add3A_485 = arith.addi %add3A_374, %add3A_484 : i32
        %dma_start3A_486 = arith.constant 0 : i32
        %dma_start3A_487 = tpu.memref_slice %arg6[%add3A_485, %dma_start3A_486] : memref<64x100xi32, #tpu.memory_space<vmem>> -> memref<1x100xi32, #tpu.memory_space<vmem>>
        %dma_start3A_488 = tpu.memref_squeeze %dma_start3A_487 : memref<1x100xi32, #tpu.memory_space<vmem>> -> memref<100xi32, #tpu.memory_space<vmem>>
        %dma_start3A_489 = arith.constant 0 : i32
        %dma_start3A_490 = arith.constant 0 : i32
        %dma_start3A_491 = tpu.memref_slice %arg4[%dma_start3A_489, %dma_start3A_490] : memref<1000000x128xf32, #tpu.memory_space<hbm>> -> memref<1000000x128xf32, #tpu.memory_space<hbm>>
        tpu.enqueue_indirect_dma source(%dma_start3A_491 : memref<1000000x128xf32, #tpu.memory_space<hbm>>) target(%arg11 : memref<100x128xf32, #tpu.memory_space<vmem>>) offsets(%dma_start3A_488 : memref<100xi32, #tpu.memory_space<vmem>>) semaphore(%arg16 : memref<!tpu.dma_semaphore, #tpu.memory_space<semaphore_mem>>)
      } else {
      }
    }
    %scan3A_36 = arith.constant 16 : i32
    %mul3A_37 = arith.constant 128 : i32
    %mul3A_38 = arith.muli %add3A, %mul3A_37 : i32
    "tpu.region"() ({
      %run_scoped3A = tpu.sem_alloc : memref<!tpu.dma_semaphore, #tpu.memory_space<semaphore_mem>>
      %dma_start3A_39 = arith.constant 0 : i32
      %dma_start3A_40 = tpu.memref_slice %arg5[%mul3A_38, %dma_start3A_39] : memref<4096x64xf32, #tpu.memory_space<hbm>> -> memref<128x64xf32, #tpu.memory_space<hbm>>
      %dma_start3A_41 = arith.constant 0 : i32
      %dma_start3A_42 = tpu.memref_slice %arg5[%mul3A_38, %dma_start3A_41] : memref<4096x64xf32, #tpu.memory_space<hbm>> -> memref<128x64xf32, #tpu.memory_space<hbm>>
      tpu.enqueue_dma source(%arg12 : memref<128x64xf32, #tpu.memory_space<vmem>>) target(%dma_start3A_42 : memref<128x64xf32, #tpu.memory_space<hbm>>) target_semaphore(%run_scoped3A : memref<!tpu.dma_semaphore, #tpu.memory_space<semaphore_mem>>)
      %dma_wait3A = arith.constant 0 : i32
      %dma_wait3A_43 = tpu.memref_slice %arg5[%mul3A_38, %dma_wait3A] : memref<4096x64xf32, #tpu.memory_space<hbm>> -> memref<128x64xf32, #tpu.memory_space<hbm>>
      %dma_wait3A_44 = arith.constant 0 : i32
      %dma_wait3A_45 = tpu.memref_slice %arg5[%mul3A_38, %dma_wait3A_44] : memref<4096x64xf32, #tpu.memory_space<hbm>> -> memref<128x64xf32, #tpu.memory_space<hbm>>
      tpu.wait_dma2 semaphore(%run_scoped3A : memref<!tpu.dma_semaphore, #tpu.memory_space<semaphore_mem>>) src(%arg12 : memref<128x64xf32, #tpu.memory_space<vmem>>) dst(%dma_wait3A_45 : memref<128x64xf32, #tpu.memory_space<hbm>>)
      tpu.yield
    }) : () -> ()
    return
  }
}

</mosaic_0001>

<sc_bundles>
// kernel: _embed.3.cloned.1.call-start
scs
__scs_entry_jumppad:
0x0: {  	(pc) =	sbr.rel $0x88, $3  }
0x1: {  	(tag) =	ssettag $0x0;
	lr =	simm.s32 $0x1  }
0x2: {  	[smem:$0x3F9E] =	sst lr;
	_ =	strace $0xD0000000  }
0x3: {  	_ = 	snop  }
0x4: {  	_ = 	snop  }
0x5: {  	_ = 	snop  }
0x6: {  	_ = 	snop  }
0x7: {  	_ = 	snop  }
__scs_overlays_trampoline_lowered:
0x8: {  	[smem:$0x3FAD] =	sst s0  }
0x9: {  	[smem:$0x3FAE] =	sst s1  }
0xa: {  	[smem:$0x3FAF] =	sst s2  }
0xb: {  	[smem:$0x3FB0] =	sst s3  }
0xc: {  	[smem:$0x3FB1] =	sst s4  }
0xd: {  	[smem:$0x3FB2] =	sst s5  }
0xe: {  	[smem:$0x3FB3] =	sst s6  }
0xf: {  	[smem:$0x3FB4] =	sst s7  }
0x10: {  	[smem:$0x3FB5] =	sst s8  }
0x11: {  	[smem:$0x3FB6] =	sst s9;
	s0 =	simm.s32 @!p0 $0x0  }
0x12: {  	s1 =	sld [smem:$0x3F9C];
	s0 =	simm.s32 @p0 $0x1  }
0x13: {  	[smem:$0x3FB7] =	sst s0;
	s0 =	simm.s32 @!p1 $0x0  }
0x14: {  	s2 =	sld [smem:$0x3F9B];
	s0 =	simm.s32 @p1 $0x1  }
0x15: {  	[smem:$0x3FB8] =	sst s0;
	s0 =	simm.s32 @!p2 $0x0  }
0x16: {  	s3 =	sld [smem:$0x3FDB];
	s0 =	simm.s32 @p2 $0x1  }
0x17: {  	s4 =	simm.s32 $0x1BF5;
	[smem:$0x3FBA] =	sst s0  }
0x18: {  	s0 =	sld [smem:$0x3F9D];
	_ =	swait.ge [sflag:s4], $0x0  }
0x19: {  	s7 =	sld [smem:$0x3F9E]  }
0x1a: {  	s8 =	sadd.s32 $0xFFFFE003, lr  }
0x1b: {  	s9 =	sadd.s32 $0xFFFFFEF7, lr;
	s5 =	simm.s32 $0xFFFFFFFF;
	p2 =	slt.u32 s8, $0xFFFFF086  }
0x1c: {  	p1 =	slt.u32 s9, $0xF7A;
	s5 =	simm.s32 @!p2 $0x0  }
0x1d: {  	s5 =	simm.s32 @p1 $0x1;
	p0 =	seq.s32 s7, s2  }
0x1e: {  	s7 =	smul.u32 @!p0 $0xF7A, s2;
	p2 =	seq.s32 @!p0 s5, $0x0  }
0x1f: {  	s9 =	smul.u32 $0xF7A, s1;
	s8 =	simm.s32 @!p0 $0x1BF5;
	p2 =	por !p2, p0  }
0x20: {  	[sflag:s8] =	ssyncset.s32 @!p0 $0xFFFFF086;
	s6 =	sadd.s32 @!p0 s3, s7;
	s7 =	simm.s32 @!p0 $0x108  }
0x21: {  	s3 =	sadd.s32 s3, s9;
	s6 =	sadd.s32 @!p0 $0x88, s6;
	s7 =	simm.s32 @p2 $0x1082  }
0x22: {  	[simem:s7], [sflag:s8] =	dma.local @!p0 [hbm:s6], $0xF7A  }
0x23: {  	s9 =	sor.u32 $0xD0000000, s2;
	s6 =	simm.s32 $0x108;
	_ =	swait.ge @!p0 [sflag:s8], $0x0  }
0x24: {  	s3 =	sadd.s32 $0x88, s3;
	s6 =	simm.s32 @!p1 $0x1082;
	[sflag:s4] =	ssyncset.s32 $0xFFFFF086  }
0x25: {  	[simem:s6], [sflag:s4] =	dma.local [hbm:s3], $0xF7A  }
0x26: {  	[smem:$0x3F9E] =	sst s1;
	(tag) =	ssettag s2;
	_ =	strace s9  }
0x27: {  	s1 =	sld [smem:$0x3FAE]  }
0x28: {  	s2 =	sld [smem:$0x3FAF]  }
0x29: {  	s4 =	sld [smem:$0x3FB1]  }
0x2a: {  	p0 =	seq.s32 s5, $0x0;
	s5 =	sld [smem:$0x3FB2]  }
0x2b: {  	s6 =	sld [smem:$0x3FB3]  }
0x2c: {  	s7 =	sld [smem:$0x3FB4]  }
0x2d: {  	s3 =	simm.s32 $0x108;
	s8 =	sld [smem:$0x3FB5]  }
0x2e: {  	s3 =	simm.s32 @!p0 $0x1082;
	s9 =	sld [smem:$0x3FB6]  }
0x2f: {  	lr =	sadd.s32 s0, s3;
	s0 =	sld [smem:$0x3FAD]  }
0x30: {  	s3 =	sld [smem:$0x3FB0]  }
0x31: {  	[smem:$0x3FB9] =	sst s10  }
0x32: {  	s10 =	sld [smem:$0x3FB7];
	_ =	sdelay $0x3  }
0x33: {  	p0 =	seq.s32 s10, $0x1;
	s10 =	sld [smem:$0x3FB9];
	_ =	sdelay $0x3  }
0x34: {  	[smem:$0x3FB9] =	sst s10  }
0x35: {  	s10 =	sld [smem:$0x3FB8];
	_ =	sdelay $0x3  }
0x36: {  	p1 =	seq.s32 s10, $0x1;
	s10 =	sld [smem:$0x3FB9];
	_ =	sdelay $0x3  }
0x37: {  	[smem:$0x3FB9] =	sst s10  }
0x38: {  	s10 =	sld [smem:$0x3FBA]  }
0x39: {  	_ = 	snop;
	(pc) =	sbr.ind lr, $3  }
0x3a: {  	_ = 	snop  }
0x3b: {  	_ = 	snop  }
0x3c: {  	p2 =	seq.s32 s10, $0x1;
	s10 =	sld [smem:$0x3FB9]  }
0x3d: {  	_ =	shalt  }
0x3e: {  	_ =	shalt  }
0x3f: {  	_ =	shalt  }
0x40: {  	_ =	shalt  }
0x41: {  	_ =	shalt  }
0x42: {  	_ =	shalt  }
0x43: {  	_ =	shalt  }
0x44: {  	_ =	shalt  }
0x45: {  	_ =	shalt  }
0x46: {  	_ =	shalt  }
0x47: {  	_ =	shalt  }
0x48: {  	_ =	shalt  }
0x49: {  	_ =	shalt  }
0x4a: {  	_ =	shalt  }
0x4b: {  	_ =	shalt  }
0x4c: {  	_ =	shalt  }
0x4d: {  	_ =	shalt  }
0x4e: {  	_ =	shalt  }
0x4f: {  	_ =	shalt  }
0x50: {  	_ =	shalt  }
0x51: {  	_ =	shalt  }
0x52: {  	_ =	shalt  }
0x53: {  	_ =	shalt  }
0x54: {  	_ =	shalt  }
0x55: {  	_ =	shalt  }
0x56: {  	_ =	shalt  }
0x57: {  	_ =	shalt  }
0x58: {  	_ =	shalt  }
0x59: {  	_ =	shalt  }
0x5a: {  	_ =	shalt  }
0x5b: {  	_ =	shalt  }
0x5c: {  	_ =	shalt  }
0x5d: {  	_ =	shalt  }
0x5e: {  	_ =	shalt  }
0x5f: {  	_ =	shalt  }
0x60: {  	_ =	shalt  }
0x61: {  	_ =	shalt  }
0x62: {  	_ =	shalt  }
0x63: {  	_ =	shalt  }
0x64: {  	_ =	shalt  }
0x65: {  	_ =	shalt  }
0x66: {  	_ =	shalt  }
0x67: {  	_ =	shalt  }
0x68: {  	_ =	shalt  }
0x69: {  	_ =	shalt  }
0x6a: {  	_ =	shalt  }
0x6b: {  	_ =	shalt  }
0x6c: {  	_ =	shalt  }
0x6d: {  	_ =	shalt  }
0x6e: {  	_ =	shalt  }
0x6f: {  	_ =	shalt  }
0x70: {  	_ =	shalt  }
0x71: {  	_ =	shalt  }
0x72: {  	_ =	shalt  }
0x73: {  	_ =	shalt  }
0x74: {  	_ =	shalt  }
0x75: {  	_ =	shalt  }
0x76: {  	_ =	shalt  }
0x77: {  	_ =	shalt  }
0x78: {  	_ =	shalt  }
0x79: {  	_ =	shalt  }
0x7a: {  	_ =	shalt  }
0x7b: {  	_ =	shalt  }
0x7c: {  	_ =	shalt  }
0x7d: {  	_ =	shalt  }
0x7e: {  	_ =	shalt  }
0x7f: {  	_ =	shalt  }
0x80: {  	_ =	shalt  }
0x81: {  	_ =	shalt  }
0x82: {  	_ =	shalt  }
0x83: {  	_ =	shalt  }
0x84: {  	_ =	shalt  }
0x85: {  	_ =	shalt  }
0x86: {  	_ =	shalt  }
0x87: {  	_ =	shalt  }
.Lfunc_end0:
.L_simem_size_0:
called_computation_lowered:
.L_overlay_start_0:
0x88: {  	s2 =	sld [smem:$0x3FD9]  }
0x89: {  	s3 =	sld [smem:$0x3FFE];
	_ =	sdelay $0x1  }
0x8a: {  	s1 =	srdreg.scid  }
0x8b: {  	s0 =	sand.u32 $0x1, s1  }
0x8c: {  	s17 =	sshll.u32 s0, $0xA;
	s2 =	sadd.s32 s3, s2  }
0x8d: {  	s2 =	sadd.s32 s2, s17  }
0x8e: {  	[smem:$0x3FC5] =	sst s2  }
0x8f: {  	_ = 	snop  }
0x90: {  	s2 =	sld [smem:$0x3FC8]  }
0x91: {  	s18 =	sld [smem:$0x3FC7]  }
0x92: {  	s4 =	sld [smem:$0x3FD0];
	(tm) =	ssettm $0x1  }
0x93: {  	s5 =	sld [smem:$0x3FFB];
	_ =	sdelay $0x3  }
0x94: {  	_ =	strace s5  }
0x95: {  	s5 =	sld [smem:$0x3FFC];
	_ =	sdelay $0x3  }
0x96: {  	_ =	strace s5  }
0x97: {  	s5 =	sld [smem:$0x3FFD];
	_ =	sdelay $0x3  }
0x98: {  	_ =	strace s5  }
0x99: {  	_ =	strace $0x8FFFFFFF  }
0x9a: {  	s19 =	sld [smem:$0x3FDB];
	_ =	sdelay $0x1  }
0x9b: {  	s6 =	simm.s32 $_scs_section_size  }
0x9c: {  	s7 =	simm.s32 $_size__tile_overlayer_lowered;
	s8 =	simm.s32 $_tile_overlayer_lowered  }
0x9d: {  	s22 =	simm.s32 $0x1BFF;
	s21 =	sshll.u32 s8, $0x1;
	s5 =	sadd.s32 s6, s19  }
0x9e: {  	s9 =	simm.s32 $0x0;
	s20 =	sshll.u32 s7, $0x1;
	s7 =	sadd.s32 s21, s5  }
0x9f: {  	[timem:s9], [sflag:s22] =	dma.local [hbm:s7], s20  }
0xa0: {  	_ =	swait.ge [sflag:s22], s20  }
0xa1: {  	s6 =	ssub.s32 $0x0, s20;
	[sflag:s22] =	ssyncset.done $0x0  }
0xa2: {  	[sflag:s22] =	ssyncadd.s32 s6;
	_ =	sdelay $0x1  }
0xa3: {  	s23 =	simm.s32 $0x1B8B  }
0xa4: {  	_ =	swait.ge [sflag:s23], $0x1  }
0xa5: {  	[sflag:s23] =	ssyncset.done $0x0  }
0xa6: {  	s25 =	simm.s32 $0x1B8E;
	s24 =	sld [smem:$0x3FFE];
	[sflag:s23] =	ssyncadd.s32 $0xFFFFFFFF  }
0xa7: {  	s26 =	simm.s32 $execute0_lowered;
	[smem:$0x3FD2] =	sst s25  }
0xa8: {  	s7 =	sshll.u32 s26, $0x1;
	_ =	strace $0x80000046;
	[dreg:$0x1] =	wrdreg $0xFFFFFFFF  }
0xa9: {  	s28 =	simm.s32 $_size_execute0_lowered;
	s5 =	sadd.s32 s5, s7;
	[dreg:$0x0] =	wrdreg $0x0  }
0xaa: {  	s7 =	sshll.u32 s28, $0x1;
	[dreg:$0x2] =	wrdreg s5  }
0xab: {  	[dreg:$0x3] =	wrdreg s7  }
0xac: {  	[dreg:$0x4] =	wrdreg $0xC0  }
0xad: {  	_ =	task [dreg:s9], $0x5FFFF  }
0xae: {  	[dreg:$0x1] =	wrdreg $0xFFFFFFFF  }
0xaf: {  	[dreg:$0x0] =	wrdreg $0x60  }
0xb0: {  	[dreg:$0x2] =	wrdreg s24  }
0xb1: {  	[dreg:$0x3] =	wrdreg s2  }
0xb2: {  	[dreg:$0x4] =	wrdreg s18  }
0xb3: {  	[dreg:$0x5] =	wrdreg s4  }
0xb4: {  	[dreg:$0x6] =	wrdreg $0x9  }
0xb5: {  	_ =	task.clear_ibuf [dreg:s9], $0x7FFFF;
	_ =	strace $0x90000046  }
0xb6: {  	s29 =	simm.s32 $0x9;
	_ =	strace $0x80000048  }
0xb7: {  	_ =	swait.ge [sflag:s29], $0x1  }
0xb8: {  	[sflag:s29] =	ssyncadd.s32 $0xFFFFFFFF  }
0xb9: {  	_ =	strace $0x90000048  }
0xba: {  	_ =	sfence  }
0xbb: {  	s30 =	sld [smem:$0x0];
	_ =	sdelay $0x2  }
0xbc: {  	s31 =	sshll.u32 s1, $0xD;
	s1 =	sshrl.u32 s1, $0x2  }
0xbd: {  	s3 =	sand.u32 $0x4000, s31;
	s1 =	sadd.s32 s1, s30  }
0xbe: {  	s0 =	sor.u32 s3, s0;
	s1 =	sshll.u32 s1, $0x11  }
0xbf: {  	s0 =	sor.u32 s1, s0  }
0xc0: {  	s0 =	sadd.s32 $0x8F2B, s0  }
0xc1: {  	[sflag:s0] =	ssyncadd.remote.s32 $0x1  }
0xc2: {  	_ =	sfence.sel $0xFFFF  }
0xc3: {  	[dreg:$0x0] =	wrdreg $0xFFFFFFFF;
	(pc) =	sbr.abs _section_cstart, $3  }
0xc4: {  	[dreg:$0x1] =	wrdreg $0xFFFFFFFF  }
0xc5: {  	_ =	task.clear_ibuf [dreg:s9], $0x2FFFF;
	_ =	strace $0x9FFFFFFF  }
0xc6: {  	(tm) =	ssettm $0x7FFFFFFF  }
0xc7: {  	_ =	shalt  }
tec
execute0_lowered:
.L_overlay_start_1:
0x0: {  	(tag) =	ssettag $0x1  }
0x1: {  	s0 =	rddreg [dreg:$0x0]  }
0x2: {  	s1 =	rddreg [dreg:$0x1]  }
0x3: {  	s2 =	rddreg [dreg:$0x2]  }
0x4: {  	s3 =	srdreg.scid;
	s5 =	stileid.u32  }
0x5: {  	s6 =	rddreg [dreg:$0x3];
	s9 =	simm.s32 $0x64;
	s14 =	simm.s32 $0x9710  }
0x6: {  	s15 =	simm.s32 $0x138;
	s16 =	simm.s32 $0xC910;
	s17 =	simm.s32 $0x1  }
0x7: {  	s18 =	simm.s32 $0x2;
	s4 =	sand.u32 $0x1, s3;
	s5 =	sshll.u32 s5, $0x1  }
0x8: {  	s19 =	simm.s32 $0x3;
	s20 =	simm.s32 $0x4;
	s5 =	sor.u32 s4, s5  }
0x9: {  	s21 =	simm.s32 $0xFB10;
	s3 =	simm.s32 $0x0;
	s7 =	smul.u32 $0x340, s5  }
.Ltmp0:
0xa: {  	s22 =	simm.s32 $0x0;
	[smem:$0x7FF] =	sst s3;
	(pc) =	sbr.rel .LBB2_1-.Ltmp0, $4  }
0xb: {  	s4 =	ssub.s32 $0x2, s4;
	s8 =	smul.u32 $0x320, s5;
	s31 =	sshll.u32 s5, $0xA  }
0xc: {  	_ =	strace $0x80000047;
	s30 =	sshrl.u32 s4, $0x1;
	s6 =	sadd.s32 s6, s31  }
0xd: {  	s0 =	sadd.s32 s7, s0;
	s7 =	ssub.s32 s4, s30;
	s5 =	sadd.s32 s1, s8  }
0xe: {  	s8 =	simm.s32 $0x5;
	s4 =	sadd.s32 $0x400, s0;
	s7 =	smax.u32 s7, $0x1  }
.LBB2_12:
0xf: {  	s22 =	sadd.s32 $0x1, s22  }
0x10: {  	p0 =	sne.s32 s22, s7  }
.Ltmp1:
0x11: {  	_ = 	snop;
	(pc) =	sbr.rel @!p0 .LBB2_13-.Ltmp1, $4  }
0x12: {  	[hbm4b:s6+s3] =	stream.linear.scatter [tilespmem:s21], [sflag:$0x5], $0x2000, $0x38;
	[tilespmem:$0x11B10] =	vst v63  }
0x13: {  	_ =	swait.ge [sflag:s8], $0x2000  }
0x14: {  	[sflag:s8] =	ssyncset.done $0x0  }
0x15: {  	[sflag:s8] =	ssyncadd.s32 $0xFFFFE000  }
.LBB2_1:
0x16: {  	[tilespmem:s3], [sflag:$0x5] =	stream.linear.gather [hbm4b:s4+s3], $0x1A00, $0x38;
	[tilespmem:$0x11B10] =	vst v63  }
0x17: {  	_ =	swait.ge [sflag:s8], $0x1A00  }
0x18: {  	[sflag:s8] =	ssyncset.done $0x0  }
0x19: {  	s23 =	simm.s32 $0x1A00;
	[sflag:s8] =	ssyncadd.s32 $0xFFFFE600  }
0x1a: {  	[tilespmem:s23], [sflag:$0x5] =	stream.linear.gather [hbm4b:s5+s3], $0x1900, $0x38;
	[tilespmem:$0x11B10] =	vst v63  }
0x1b: {  	_ =	swait.ge [sflag:s8], $0x1900  }
0x1c: {  	[sflag:s8] =	ssyncset.done $0x0  }
0x1d: {  	s0 =	simm.s32 $0x3310;
	[sflag:s8] =	ssyncadd.s32 $0xFFFFE700  }
0x1e: {  	[tilespmem:s0], [sflag:$0x1] =	stream.indirect.gather [hbm4b:s2+s9], $0x80, s3, s9, $0xb8;
	[tilespmem:$0x11B10] =	vst v63  }
0x1f: {  	s30 =	simm.s32 $0x68;
	s1 =	simm.s32 $0x6510  }
0x20: {  	[tilespmem:s1], [sflag:$0x2] =	stream.indirect.gather [hbm4b:s2+s9], $0x80, s30, s9, $0xb8;
	[tilespmem:$0x11B10] =	vst v63  }
0x21: {  	s31 =	simm.s32 $0xD0;
	s24 =	simm.s32 $0x1A64  }
0x22: {  	[tilespmem:s14], [sflag:$0x3] =	stream.indirect.gather [hbm4b:s2+s9], $0x80, s31, s9, $0xb8;
	[tilespmem:$0x11B10] =	vst v63  }
0x23: {  	s25 =	simm.s32 $0x1AC8;
	s26 =	simm.s32 $0x1B2C;
	s28 =	simm.s32 $0x0  }
0x24: {  	[tilespmem:s16], [sflag:$0x4] =	stream.indirect.gather [hbm4b:s2+s9], $0x80, s15, s9, $0xb8;
	[tilespmem:$0x11B10] =	vst v63  }
.LBB2_2:
0x25: {  	_ =	swait.ge [sflag:s17], $0x3200  }
0x26: {  	[sflag:s17] =	ssyncset.done $0x0  }
0x27: {  	v0 =	vmov s23;
	s0 =	simm.s32 $0x4C40;
	[sflag:s17] =	ssyncadd.s32 $0xFFFFCE00  }
0x28: {  	v1 =	vld [tilespmem:s0+$0xFFFFE6D0]  }
0x29: {  	v2 =	vld [tilespmem:s0+$0xFFFFE6E0]  }
0x2a: {  	v3 =	vld [tilespmem:s0+$0xFFFFE6F0]  }
0x2b: {  	s1 =	simm.s32 $0x0;
	v6 =	vld [tilespmem:s0+$0xFFFFFFD0]  }
0x2c: {  	v4 =	vld.idx.msk [tilespmem:v0+s1+$0x32 ss:$0x1], $0xffff  }
0x2d: {  	v5 =	vld.idx.msk [tilespmem:v0+s1+$0x0 ss:$0x1], $0xffff  }
0x2e: {  	v7 =	vld [tilespmem:s0+$0xFFFFFFE0]  }
0x2f: {  	v8 =	vld [tilespmem:s0+$0xFFFFE700]  }
0x30: {  	v10 =	vld [tilespmem:s0+$0xFFFFFFF0]  }
0x31: {  	s31 =	simm.s32 $0x1;
	v11 =	vld [tilespmem:s0+$0x0];
	(v2sf) =	vpush v4, $0x0  }
0x32: {  	v17 =	vld.idx.msk [tilespmem:v0+s31+$0x32 ss:$0x1], $0xffff;
	(v2sf) =	vpush v5, $0x0  }
0x33: {  	s30 =	simm.s32 $0x4CC0;
	v21 =	vld.idx.msk [tilespmem:v0+s31+$0x0 ss:$0x1], $0xffff  }
0x34: {  	v19 =	vld [tilespmem:s30+$0xFFFFE6D0];
	v12 =	vbroadcast v4, $0x0  }
0x35: {  	v22 =	vld [tilespmem:s30+$0xFFFFE6E0];
	v13 =	vbroadcast v5, $0x0  }
0x36: {  	v18 =	vimm.f32 $0.0e+00;
	v9 =	vld [tilespmem:s30+$0xFFFFE6F0];
	v6 =	vmul.f32 v12, v6;
	v15 =	vmul.f32 v7, v12  }
0x37: {  	v20 =	vld [tilespmem:s30+$0xFFFFFFD0];
	v1 =	vmul.f32 v13, v1;
	v2 =	vmul.f32 v2, v13;
	(v2sf) =	vpush v17, $0x0  }
0x38: {  	v23 =	vld [tilespmem:s30+$0xFFFFFFE0];
	v4 =	vmul.f32 v3, v13;
	v5 =	vmul.f32 v8, v13;
	(v2sf) =	vpush v21, $0x0  }
0x39: {  	v14 =	vld [tilespmem:s30+$0xFFFFE700];
	v8 =	vadd.f32 v6, v18;
	v7 =	vadd.f32 v1, v18;
	v1 =	vmul.f32 v10, v12  }
0x3a: {  	v16 =	vld [tilespmem:s30+$0x0];
	v10 =	vmul.f32 v11, v12;
	v3 =	vadd.f32 v2, v18;
	v4 =	vadd.f32 v4, v18  }
0x3b: {  	s1 =	simm.s32 $0x4D40;
	v13 =	vld [tilespmem:s30+$0xFFFFFFF0];
	v5 =	vadd.f32 v5, v18;
	v2 =	vadd.f32 v15, v18;
	v15 =	vbroadcast v17, $0x0  }
0x3c: {  	v11 =	vld [tilespmem:s1+$0xFFFFE6D0];
	v6 =	vadd.f32 v1, v18;
	v1 =	vadd.f32 v10, v18;
	v18 =	vbroadcast v21, $0x0  }
0x3d: {  	s29 =	simm.f32 $0.0e+00;
	v10 =	vld [tilespmem:s1+$0xFFFFE6E0];
	v20 =	vmul.f32 v15, v20;
	v17 =	vmul.f32 v23, v15  }
0x3e: {  	s11 =	simm.s32 $0x2;
	s10 =	simm.s32 $0xC;
	s0 =	simm.f32 $0.0e+00;
	v12 =	vld [tilespmem:s1+$0xFFFFE6F0];
	v21 =	vmul.f32 v18, v19;
	v19 =	vmul.f32 v22, v18  }
.LBB2_3:
0x3f: {  	p0 =	sne.s32 s10, $0xC4;
	v22 =	vld.idx.msk [tilespmem:v0+s11+$0x32 ss:$0x1], $0xffff;
	v9 =	vmul.f32 v9, v18;
	v14 =	vmul.f32 v14, v18;
	v8 =	vadd.f32 v20, v8  }
0x40: {  	v13 =	vmul.f32 v13, v15;
	v20 =	vld.idx.msk [tilespmem:v0+s11+$0x0 ss:$0x1], $0xffff;
	v7 =	vadd.f32 v21, v7;
	v15 =	vmul.f32 v16, v15;
	s11 =	spop (v2sf)  }
0x41: {  	v3 =	vadd.f32 v19, v3;
	v21 =	vld [tilespmem:s1+$0xFFFFFFD0];
	v4 =	vadd.f32 v9, v4;
	s29 =	sadd.f32 s11, s29;
	s11 =	spop (v2sf);
	v19 =	vmov v11  }
0x42: {  	v2 =	vadd.f32 v17, v2;
	v5 =	vadd.f32 v14, v5;
	v23 =	vld [tilespmem:s1+$0xFFFFFFE0];
	s0 =	sadd.f32 s11, s0;
	v24 =	vmov v10  }
0x43: {  	v6 =	vadd.f32 v13, v6;
	v1 =	vadd.f32 v15, v1;
	v14 =	vld [tilespmem:s1+$0xFFFFE700];
	v9 =	vmov v12  }
.Ltmp2:
0x44: {  	v13 =	vld [tilespmem:s1+$0xFFFFFFF0];
	(pc) =	sbr.rel @p0 .LBB2_3-.Ltmp2, $4  }
0x45: {  	v15 =	vbroadcast v22, $0x0;
	v16 =	vld [tilespmem:s1+$0x0];
	s1 =	sadd.s32 $0x80, s1;
	(v2sf) =	vpush v22, $0x0  }
0x46: {  	v18 =	vbroadcast v20, $0x0;
	v11 =	vld [tilespmem:s1+$0xFFFFE6D0];
	(v2sf) =	vpush v20, $0x0  }
0x47: {  	v20 =	vmul.f32 v15, v21;
	v10 =	vld [tilespmem:s1+$0xFFFFE6E0];
	v17 =	vmul.f32 v23, v15  }
0x48: {  	s11 =	sshra.s32 s10, $0x2;
	s10 =	sadd.s32 $0x4, s10;
	v21 =	vmul.f32 v18, v19;
	v19 =	vmul.f32 v24, v18;
	v12 =	vld [tilespmem:s1+$0xFFFFE6F0]  }
0x49: {  	_ =	sdelay $0x3  }
0x4a: {  	v22 =	vld.idx.msk [tilespmem:v0+s11+$0x32 ss:$0x1], $0xffff  }
0x4b: {  	v0 =	vld.idx.msk [tilespmem:v0+s11+$0x0 ss:$0x1], $0xffff;
	_ =	sdelay $0x3  }
0x4c: {  	(v2sf) =	vpush v22, $0x0  }
0x4d: {  	(v2sf) =	vpush v0, $0x0;
	_ =	sdelay $0x9  }
0x4e: {  	s10 =	spop (v2sf)  }
0x4f: {  	s12 =	spop (v2sf)  }
0x50: {  	s0 =	sadd.f32 s12, s0;
	s11 =	spop (v2sf)  }
0x51: {  	s12 =	spop (v2sf)  }
0x52: {  	s0 =	sadd.f32 s12, s0;
	s13 =	spop (v2sf)  }
0x53: {  	s10 =	sadd.f32 s10, s29;
	s29 =	spop (v2sf)  }
0x54: {  	s0 =	sadd.f32 s29, s0;
	_ =	sdelay $0x1  }
0x55: {  	s0 =	smax.f32 s0, $1.000000000e+00  }
0x56: {  	s10 =	sadd.f32 s11, s10;
	v23 =	vmov s0  }
0x57: {  	(erf) = vrcp.f32 v23  }
0x58: {  	s13 =	sadd.f32 s13, s10  }
0x59: {  	v9 =	vmul.f32 v9, v18  }
0x5a: {  	v14 =	vmul.f32 v14, v18;
	v8 =	vadd.f32 v20, v8;
	v0 =	vbroadcast v0, $0x0;
	s0 =	smax.f32 s13, $1.000000000e+00  }
0x5b: {  	v13 =	vmul.f32 v13, v15;
	v2 =	vadd.f32 v17, v2;
	v18 =	vmov s0  }
0x5c: {  	v20 =	vld [tilespmem:s1+$0xFFFFE700];
	v7 =	vadd.f32 v21, v7;
	v11 =	vmul.f32 v0, v11;
	(erf) = vrcp.f32 v18  }
0x5d: {  	v15 =	vmul.f32 v16, v15;
	v16 =	vld [tilespmem:s1+$0xFFFFFFD0];
	v3 =	vadd.f32 v19, v3;
	v10 =	vmul.f32 v10, v0  }
0x5e: {  	v4 =	vadd.f32 v9, v4;
	v9 =	vld [tilespmem:s1+$0xFFFFFFE0];
	v5 =	vadd.f32 v14, v5  }
0x5f: {  	v6 =	vadd.f32 v13, v6;
	v13 =	vld [tilespmem:s1+$0xFFFFFFF0];
	v3 =	vadd.f32 v10, v3  }
0x60: {  	v17 =	vld [tilespmem:s1+$0x0];
	v14 =	vbroadcast v22, $0x0;
	v12 =	vmul.f32 v12, v0;
	v7 =	vadd.f32 v11, v7;
	v11 =	vpop (erf)  }
0x61: {  	v0 =	vmul.f32 v20, v0;
	v3 =	vmul.f32 v11, v3  }
0x62: {  	s1 =	sshll.u32 s28, $0x9;
	v10 =	vmul.f32 v14, v16;
	v4 =	vadd.f32 v12, v4;
	v7 =	vmul.f32 v11, v7  }
0x63: {  	v1 =	vadd.f32 v15, v1;
	v9 =	vmul.f32 v9, v14;
	v0 =	vadd.f32 v0, v5;
	s0 =	sand.u32 $0x3FFFFE00, s1  }
0x64: {  	v5 =	vadd.f32 v10, v8;
	v8 =	vmul.f32 v13, v14;
	v4 =	vmul.f32 v11, v4;
	[tilespmem:s0+$0xFB10] =	vst v7  }
0x65: {  	v2 =	vadd.f32 v9, v2;
	v0 =	vmul.f32 v11, v0;
	v7 =	vmul.f32 v17, v14;
	[tilespmem:s0+$0xFB20] =	vst v3;
	v3 =	vpop (erf)  }
0x66: {  	v6 =	vadd.f32 v8, v6;
	[tilespmem:s0+$0xFB30] =	vst v4;
	v4 =	vmul.f32 v3, v5  }
0x67: {  	p0 =	seq.s32 s28, $0xF;
	[tilespmem:s0+$0xFB40] =	vst v0;
	v1 =	vadd.f32 v7, v1;
	v0 =	vmul.f32 v3, v2  }
0x68: {  	s1 =	smul.u32 @!p0 $0x680, s28;
	v2 =	vmul.f32 v3, v6;
	[tilespmem:s0+$0xFB50] =	vst v4  }
0x69: {  	[tilespmem:s0+$0xFB60] =	vst v0;
	v0 =	vmul.f32 v3, v1  }
0x6a: {  	s30 =	sshra.s32 @!p0 s1, $0x2;
	[tilespmem:s0+$0xFB70] =	vst v2  }
0x6b: {  	s10 =	simm.s32 @!p0 $0x3310;
	s1 =	simm.s32 @!p0 $0x64;
	[tilespmem:s0+$0xFB80] =	vst v0;
	s0 =	sadd.s32 @!p0 $0x1A0, s30  }
0x6c: {  	[tilespmem:s10], [sflag:$0x1] =	stream.indirect.gather @!p0 [hbm4b:s2+s1], $0x80, s0, s1, $0xb8;
	[tilespmem:$0x11B10] =	vst v63  }
0x6d: {  	_ =	swait.ge [sflag:s18], $0x3200  }
0x6e: {  	v0 =	vmov s24;
	[sflag:s18] =	ssyncset.done $0x0  }
0x6f: {  	s10 =	simm.s32 $0x7E40;
	[sflag:s18] =	ssyncadd.s32 $0xFFFFCE00  }
0x70: {  	v1 =	vld [tilespmem:s10+$0xFFFFE6D0]  }
0x71: {  	v2 =	vld [tilespmem:s10+$0xFFFFE6E0]  }
0x72: {  	s11 =	simm.s32 $0x0;
	v3 =	vld [tilespmem:s10+$0xFFFFE6F0]  }
0x73: {  	v4 =	vld.idx.msk [tilespmem:v0+s11+$0x32 ss:$0x1], $0xffff  }
0x74: {  	v5 =	vld.idx.msk [tilespmem:v0+s11+$0x0 ss:$0x1], $0xffff  }
0x75: {  	v6 =	vld [tilespmem:s10+$0xFFFFFFD0]  }
0x76: {  	v7 =	vld [tilespmem:s10+$0xFFFFFFE0]  }
0x77: {  	v8 =	vld [tilespmem:s10+$0xFFFFE700]  }
0x78: {  	v10 =	vld [tilespmem:s10+$0xFFFFFFF0]  }
0x79: {  	s13 =	simm.s32 $0x1;
	v11 =	vld [tilespmem:s10+$0x0];
	(v2sf) =	vpush v4, $0x0  }
0x7a: {  	v17 =	vld.idx.msk [tilespmem:v0+s13+$0x32 ss:$0x1], $0xffff;
	(v2sf) =	vpush v5, $0x0  }
0x7b: {  	s12 =	simm.s32 $0x7EC0;
	v21 =	vld.idx.msk [tilespmem:v0+s13+$0x0 ss:$0x1], $0xffff  }
0x7c: {  	v19 =	vld [tilespmem:s12+$0xFFFFE6D0];
	v12 =	vbroadcast v4, $0x0  }
0x7d: {  	v22 =	vld [tilespmem:s12+$0xFFFFE6E0];
	v13 =	vbroadcast v5, $0x0  }
0x7e: {  	v18 =	vimm.f32 $0.0e+00;
	v9 =	vld [tilespmem:s12+$0xFFFFE6F0];
	v6 =	vmul.f32 v12, v6;
	v7 =	vmul.f32 v7, v12  }
0x7f: {  	v20 =	vld [tilespmem:s12+$0xFFFFFFD0];
	v1 =	vmul.f32 v13, v1;
	v2 =	vmul.f32 v2, v13;
	(v2sf) =	vpush v17, $0x0  }
0x80: {  	v4 =	vmul.f32 v3, v13;
	v5 =	vmul.f32 v8, v13;
	v13 =	vld [tilespmem:s12+$0xFFFFFFE0];
	(v2sf) =	vpush v21, $0x0  }
0x81: {  	v14 =	vld [tilespmem:s12+$0xFFFFE700];
	v8 =	vadd.f32 v6, v18;
	v6 =	vadd.f32 v1, v18;
	v1 =	vmul.f32 v10, v12  }
0x82: {  	v16 =	vld [tilespmem:s12+$0x0];
	v10 =	vmul.f32 v11, v12;
	v3 =	vadd.f32 v2, v18;
	v4 =	vadd.f32 v4, v18  }
0x83: {  	s1 =	simm.s32 $0x7F40;
	v15 =	vbroadcast v17, $0x0;
	v11 =	vld [tilespmem:s12+$0xFFFFFFF0];
	v5 =	vadd.f32 v5, v18;
	v2 =	vadd.f32 v7, v18  }
0x84: {  	s29 =	sshll.u32 s28, $0x2;
	v12 =	vld [tilespmem:s1+$0xFFFFE6D0];
	v7 =	vadd.f32 v1, v18;
	v1 =	vadd.f32 v10, v18;
	v18 =	vbroadcast v21, $0x0  }
0x85: {  	s31 =	sor.u32 $0x1, s29;
	s0 =	simm.f32 $0.0e+00;
	v20 =	vmul.f32 v15, v20;
	v10 =	vld [tilespmem:s1+$0xFFFFE6E0];
	v17 =	vmul.f32 v13, v15  }
0x86: {  	s11 =	simm.s32 $0xC;
	s10 =	simm.f32 $0.0e+00;
	s12 =	simm.s32 $0x2;
	v13 =	vld [tilespmem:s1+$0xFFFFE6F0];
	v21 =	vmul.f32 v18, v19;
	v19 =	vmul.f32 v22, v18  }
.LBB2_5:
0x87: {  	p1 =	sne.s32 s11, $0xC4;
	v22 =	vld.idx.msk [tilespmem:v0+s12+$0x32 ss:$0x1], $0xffff;
	v9 =	vmul.f32 v9, v18;
	v14 =	vmul.f32 v14, v18;
	v8 =	vadd.f32 v20, v8  }
0x88: {  	v11 =	vmul.f32 v11, v15;
	v20 =	vld.idx.msk [tilespmem:v0+s12+$0x0 ss:$0x1], $0xffff;
	v6 =	vadd.f32 v21, v6;
	v15 =	vmul.f32 v16, v15;
	s12 =	spop (v2sf)  }
0x89: {  	v3 =	vadd.f32 v19, v3;
	v21 =	vld [tilespmem:s1+$0xFFFFFFD0];
	v4 =	vadd.f32 v9, v4;
	s0 =	sadd.f32 s12, s0;
	s12 =	spop (v2sf);
	v19 =	vmov v12  }
0x8a: {  	v2 =	vadd.f32 v17, v2;
	v5 =	vadd.f32 v14, v5;
	v23 =	vld [tilespmem:s1+$0xFFFFFFE0];
	s10 =	sadd.f32 s12, s10;
	v24 =	vmov v10  }
0x8b: {  	v7 =	vadd.f32 v11, v7;
	v1 =	vadd.f32 v15, v1;
	v14 =	vld [tilespmem:s1+$0xFFFFE700];
	v9 =	vmov v13  }
.Ltmp3:
0x8c: {  	v11 =	vld [tilespmem:s1+$0xFFFFFFF0];
	(pc) =	sbr.rel @p1 .LBB2_5-.Ltmp3, $4  }
0x8d: {  	v15 =	vbroadcast v22, $0x0;
	v16 =	vld [tilespmem:s1+$0x0];
	s1 =	sadd.s32 $0x80, s1;
	(v2sf) =	vpush v22, $0x0  }
0x8e: {  	v18 =	vbroadcast v20, $0x0;
	v12 =	vld [tilespmem:s1+$0xFFFFE6D0];
	(v2sf) =	vpush v20, $0x0  }
0x8f: {  	v20 =	vmul.f32 v15, v21;
	v10 =	vld [tilespmem:s1+$0xFFFFE6E0];
	v17 =	vmul.f32 v23, v15  }
0x90: {  	s12 =	sshra.s32 s11, $0x2;
	s11 =	sadd.s32 $0x4, s11;
	v21 =	vmul.f32 v18, v19;
	v19 =	vmul.f32 v24, v18;
	v13 =	vld [tilespmem:s1+$0xFFFFE6F0]  }
0x91: {  	_ =	sdelay $0x3  }
0x92: {  	v22 =	vld.idx.msk [tilespmem:v0+s12+$0x32 ss:$0x1], $0xffff  }
0x93: {  	v0 =	vld.idx.msk [tilespmem:v0+s12+$0x0 ss:$0x1], $0xffff;
	_ =	sdelay $0x3  }
0x94: {  	(v2sf) =	vpush v22, $0x0  }
0x95: {  	(v2sf) =	vpush v0, $0x0;
	_ =	sdelay $0x9  }
0x96: {  	s11 =	spop (v2sf)  }
0x97: {  	s13 =	spop (v2sf)  }
0x98: {  	s10 =	sadd.f32 s13, s10;
	s12 =	spop (v2sf)  }
0x99: {  	s13 =	spop (v2sf)  }
0x9a: {  	s10 =	sadd.f32 s13, s10;
	s13 =	spop (v2sf)  }
0x9b: {  	s0 =	sadd.f32 s11, s0;
	s11 =	spop (v2sf)  }
0x9c: {  	s10 =	sadd.f32 s11, s10;
	_ =	sdelay $0x1  }
0x9d: {  	s10 =	smax.f32 s10, $1.000000000e+00  }
0x9e: {  	s0 =	sadd.f32 s12, s0;
	v23 =	vmov s10  }
0x9f: {  	(erf) = vrcp.f32 v23  }
0xa0: {  	s0 =	sadd.f32 s13, s0  }
0xa1: {  	v9 =	vmul.f32 v9, v18  }
0xa2: {  	v14 =	vmul.f32 v14, v18;
	v8 =	vadd.f32 v20, v8;
	v0 =	vbroadcast v0, $0x0;
	s0 =	smax.f32 s0, $1.000000000e+00  }
0xa3: {  	v11 =	vmul.f32 v11, v15;
	v2 =	vadd.f32 v17, v2;
	v18 =	vmov s0  }
0xa4: {  	v20 =	vld [tilespmem:s1+$0xFFFFE700];
	v6 =	vadd.f32 v21, v6;
	v12 =	vmul.f32 v0, v12;
	(erf) = vrcp.f32 v18  }
0xa5: {  	v15 =	vmul.f32 v16, v15;
	v16 =	vld [tilespmem:s1+$0xFFFFFFD0];
	v3 =	vadd.f32 v19, v3;
	v10 =	vmul.f32 v10, v0  }
0xa6: {  	v4 =	vadd.f32 v9, v4;
	v9 =	vld [tilespmem:s1+$0xFFFFFFE0];
	v5 =	vadd.f32 v14, v5  }
0xa7: {  	v7 =	vadd.f32 v11, v7;
	v11 =	vld [tilespmem:s1+$0xFFFFFFF0];
	v3 =	vadd.f32 v10, v3  }
0xa8: {  	v17 =	vld [tilespmem:s1+$0x0];
	v14 =	vbroadcast v22, $0x0;
	v13 =	vmul.f32 v13, v0;
	v6 =	vadd.f32 v12, v6;
	v12 =	vpop (erf)  }
0xa9: {  	v0 =	vmul.f32 v20, v0;
	v3 =	vmul.f32 v12, v3  }
0xaa: {  	s1 =	sshll.u32 s31, $0x7;
	v10 =	vmul.f32 v14, v16;
	v4 =	vadd.f32 v13, v4;
	v6 =	vmul.f32 v12, v6  }
0xab: {  	v1 =	vadd.f32 v15, v1;
	v9 =	vmul.f32 v9, v14;
	v0 =	vadd.f32 v0, v5;
	s0 =	sand.u32 $0x3FFFFF80, s1  }
0xac: {  	v5 =	vadd.f32 v10, v8;
	v8 =	vmul.f32 v11, v14;
	v4 =	vmul.f32 v12, v4;
	[tilespmem:s0+$0xFB10] =	vst v6  }
0xad: {  	v2 =	vadd.f32 v9, v2;
	v0 =	vmul.f32 v12, v0;
	v6 =	vmul.f32 v17, v14;
	[tilespmem:s0+$0xFB20] =	vst v3;
	v3 =	vpop (erf)  }
0xae: {  	v7 =	vadd.f32 v8, v7;
	[tilespmem:s0+$0xFB30] =	vst v4;
	v4 =	vmul.f32 v3, v5  }
0xaf: {  	[tilespmem:s0+$0xFB40] =	vst v0;
	v1 =	vadd.f32 v6, v1;
	v0 =	vmul.f32 v3, v2  }
0xb0: {  	v2 =	vmul.f32 v3, v7;
	[tilespmem:s0+$0xFB50] =	vst v4  }
0xb1: {  	[tilespmem:s0+$0xFB60] =	vst v0;
	v0 =	vmul.f32 v3, v1  }
0xb2: {  	[tilespmem:s0+$0xFB70] =	vst v2  }
0xb3: {  	s1 =	simm.s32 @!p0 $0x64;
	s10 =	simm.s32 @!p0 $0x6510;
	[tilespmem:s0+$0xFB80] =	vst v0;
	s0 =	sadd.s32 @!p0 $0x208, s30  }
0xb4: {  	[tilespmem:s10], [sflag:$0x2] =	stream.indirect.gather @!p0 [hbm4b:s2+s1], $0x80, s0, s1, $0xb8;
	[tilespmem:$0x11B10] =	vst v63  }
0xb5: {  	_ =	swait.ge [sflag:s19], $0x3200  }
0xb6: {  	v0 =	vmov s25;
	[sflag:s19] =	ssyncset.done $0x0  }
0xb7: {  	s10 =	simm.s32 $0xB040;
	[sflag:s19] =	ssyncadd.s32 $0xFFFFCE00  }
0xb8: {  	v1 =	vld [tilespmem:s10+$0xFFFFE6D0]  }
0xb9: {  	v2 =	vld [tilespmem:s10+$0xFFFFE6E0]  }
0xba: {  	s11 =	simm.s32 $0x0;
	v3 =	vld [tilespmem:s10+$0xFFFFE6F0]  }
0xbb: {  	v4 =	vld.idx.msk [tilespmem:v0+s11+$0x32 ss:$0x1], $0xffff  }
0xbc: {  	v5 =	vld.idx.msk [tilespmem:v0+s11+$0x0 ss:$0x1], $0xffff  }
0xbd: {  	v6 =	vld [tilespmem:s10+$0xFFFFFFD0]  }
0xbe: {  	v7 =	vld [tilespmem:s10+$0xFFFFFFE0]  }
0xbf: {  	v8 =	vld [tilespmem:s10+$0xFFFFE700]  }
0xc0: {  	v10 =	vld [tilespmem:s10+$0xFFFFFFF0]  }
0xc1: {  	s13 =	simm.s32 $0x1;
	v11 =	vld [tilespmem:s10+$0x0];
	(v2sf) =	vpush v4, $0x0  }
0xc2: {  	v17 =	vld.idx.msk [tilespmem:v0+s13+$0x32 ss:$0x1], $0xffff;
	(v2sf) =	vpush v5, $0x0  }
0xc3: {  	s12 =	simm.s32 $0xB0C0;
	v21 =	vld.idx.msk [tilespmem:v0+s13+$0x0 ss:$0x1], $0xffff  }
0xc4: {  	v19 =	vld [tilespmem:s12+$0xFFFFE6D0];
	v12 =	vbroadcast v4, $0x0  }
0xc5: {  	v22 =	vld [tilespmem:s12+$0xFFFFE6E0];
	v13 =	vbroadcast v5, $0x0  }
0xc6: {  	v18 =	vimm.f32 $0.0e+00;
	v9 =	vld [tilespmem:s12+$0xFFFFE6F0];
	v6 =	vmul.f32 v12, v6;
	v15 =	vmul.f32 v7, v12  }
0xc7: {  	v20 =	vld [tilespmem:s12+$0xFFFFFFD0];
	v1 =	vmul.f32 v13, v1;
	v2 =	vmul.f32 v2, v13;
	(v2sf) =	vpush v17, $0x0  }
0xc8: {  	v4 =	vmul.f32 v3, v13;
	v5 =	vmul.f32 v8, v13;
	v13 =	vld [tilespmem:s12+$0xFFFFFFE0];
	(v2sf) =	vpush v21, $0x0  }
0xc9: {  	v14 =	vld [tilespmem:s12+$0xFFFFE700];
	v8 =	vadd.f32 v6, v18;
	v7 =	vadd.f32 v1, v18;
	v1 =	vmul.f32 v10, v12  }
0xca: {  	v16 =	vld [tilespmem:s12+$0x0];
	v10 =	vmul.f32 v11, v12;
	v3 =	vadd.f32 v2, v18;
	v4 =	vadd.f32 v4, v18  }
0xcb: {  	s1 =	simm.s32 $0xB140;
	v12 =	vld [tilespmem:s12+$0xFFFFFFF0];
	v5 =	vadd.f32 v5, v18;
	v2 =	vadd.f32 v15, v18;
	v15 =	vbroadcast v17, $0x0  }
0xcc: {  	v11 =	vld [tilespmem:s1+$0xFFFFE6D0];
	v6 =	vadd.f32 v1, v18;
	v1 =	vadd.f32 v10, v18;
	v18 =	vbroadcast v21, $0x0  }
0xcd: {  	s31 =	sor.u32 $0x2, s29;
	s0 =	simm.f32 $0.0e+00;
	v10 =	vld [tilespmem:s1+$0xFFFFE6E0];
	v20 =	vmul.f32 v15, v20;
	v17 =	vmul.f32 v13, v15  }
0xce: {  	s11 =	simm.s32 $0xC;
	s10 =	simm.f32 $0.0e+00;
	s12 =	simm.s32 $0x2;
	v13 =	vld [tilespmem:s1+$0xFFFFE6F0];
	v21 =	vmul.f32 v18, v19;
	v19 =	vmul.f32 v22, v18  }
.LBB2_7:
0xcf: {  	p1 =	sne.s32 s11, $0xC4;
	v22 =	vld.idx.msk [tilespmem:v0+s12+$0x32 ss:$0x1], $0xffff;
	v9 =	vmul.f32 v9, v18;
	v14 =	vmul.f32 v14, v18;
	v8 =	vadd.f32 v20, v8  }
0xd0: {  	v12 =	vmul.f32 v12, v15;
	v20 =	vld.idx.msk [tilespmem:v0+s12+$0x0 ss:$0x1], $0xffff;
	v7 =	vadd.f32 v21, v7;
	v15 =	vmul.f32 v16, v15;
	s12 =	spop (v2sf)  }
0xd1: {  	v3 =	vadd.f32 v19, v3;
	v21 =	vld [tilespmem:s1+$0xFFFFFFD0];
	v4 =	vadd.f32 v9, v4;
	s0 =	sadd.f32 s12, s0;
	s12 =	spop (v2sf);
	v19 =	vmov v11  }
0xd2: {  	v2 =	vadd.f32 v17, v2;
	v5 =	vadd.f32 v14, v5;
	v23 =	vld [tilespmem:s1+$0xFFFFFFE0];
	s10 =	sadd.f32 s12, s10;
	v24 =	vmov v10  }
0xd3: {  	v6 =	vadd.f32 v12, v6;
	v1 =	vadd.f32 v15, v1;
	v14 =	vld [tilespmem:s1+$0xFFFFE700];
	v9 =	vmov v13  }
.Ltmp4:
0xd4: {  	v12 =	vld [tilespmem:s1+$0xFFFFFFF0];
	(pc) =	sbr.rel @p1 .LBB2_7-.Ltmp4, $4  }
0xd5: {  	v15 =	vbroadcast v22, $0x0;
	v16 =	vld [tilespmem:s1+$0x0];
	s1 =	sadd.s32 $0x80, s1;
	(v2sf) =	vpush v22, $0x0  }
0xd6: {  	v18 =	vbroadcast v20, $0x0;
	v11 =	vld [tilespmem:s1+$0xFFFFE6D0];
	(v2sf) =	vpush v20, $0x0  }
0xd7: {  	v20 =	vmul.f32 v15, v21;
	v10 =	vld [tilespmem:s1+$0xFFFFE6E0];
	v17 =	vmul.f32 v23, v15  }
0xd8: {  	s12 =	sshra.s32 s11, $0x2;
	s11 =	sadd.s32 $0x4, s11;
	v21 =	vmul.f32 v18, v19;
	v19 =	vmul.f32 v24, v18;
	v13 =	vld [tilespmem:s1+$0xFFFFE6F0]  }
0xd9: {  	_ =	sdelay $0x3  }
0xda: {  	v22 =	vld.idx.msk [tilespmem:v0+s12+$0x32 ss:$0x1], $0xffff  }
0xdb: {  	v0 =	vld.idx.msk [tilespmem:v0+s12+$0x0 ss:$0x1], $0xffff;
	_ =	sdelay $0x3  }
0xdc: {  	(v2sf) =	vpush v22, $0x0  }
0xdd: {  	(v2sf) =	vpush v0, $0x0;
	_ =	sdelay $0x9  }
0xde: {  	s11 =	spop (v2sf)  }
0xdf: {  	s13 =	spop (v2sf)  }
0xe0: {  	s10 =	sadd.f32 s13, s10;
	s12 =	spop (v2sf)  }
0xe1: {  	s13 =	spop (v2sf)  }
0xe2: {  	s10 =	sadd.f32 s13, s10;
	s13 =	spop (v2sf)  }
0xe3: {  	s0 =	sadd.f32 s11, s0;
	s11 =	spop (v2sf)  }
0xe4: {  	s10 =	sadd.f32 s11, s10;
	_ =	sdelay $0x1  }
0xe5: {  	s10 =	smax.f32 s10, $1.000000000e+00  }
0xe6: {  	s0 =	sadd.f32 s12, s0;
	v23 =	vmov s10  }
0xe7: {  	(erf) = vrcp.f32 v23  }
0xe8: {  	s0 =	sadd.f32 s13, s0  }
0xe9: {  	v9 =	vmul.f32 v9, v18  }
0xea: {  	v14 =	vmul.f32 v14, v18;
	v8 =	vadd.f32 v20, v8;
	v0 =	vbroadcast v0, $0x0;
	s0 =	smax.f32 s0, $1.000000000e+00  }
0xeb: {  	v12 =	vmul.f32 v12, v15;
	v2 =	vadd.f32 v17, v2;
	v18 =	vmov s0  }
0xec: {  	v20 =	vld [tilespmem:s1+$0xFFFFE700];
	v7 =	vadd.f32 v21, v7;
	v11 =	vmul.f32 v0, v11;
	(erf) = vrcp.f32 v18  }
0xed: {  	v15 =	vmul.f32 v16, v15;
	v16 =	vld [tilespmem:s1+$0xFFFFFFD0];
	v3 =	vadd.f32 v19, v3;
	v10 =	vmul.f32 v10, v0  }
0xee: {  	v4 =	vadd.f32 v9, v4;
	v9 =	vld [tilespmem:s1+$0xFFFFFFE0];
	v5 =	vadd.f32 v14, v5  }
0xef: {  	v6 =	vadd.f32 v12, v6;
	v12 =	vld [tilespmem:s1+$0xFFFFFFF0];
	v3 =	vadd.f32 v10, v3  }
0xf0: {  	v17 =	vld [tilespmem:s1+$0x0];
	v14 =	vbroadcast v22, $0x0;
	v13 =	vmul.f32 v13, v0;
	v7 =	vadd.f32 v11, v7;
	v11 =	vpop (erf)  }
0xf1: {  	v0 =	vmul.f32 v20, v0;
	v3 =	vmul.f32 v11, v3  }
0xf2: {  	v10 =	vmul.f32 v14, v16;
	v4 =	vadd.f32 v13, v4;
	s11 =	sshll.u32 s31, $0x7;
	v7 =	vmul.f32 v11, v7  }
0xf3: {  	v1 =	vadd.f32 v15, v1;
	v9 =	vmul.f32 v9, v14;
	v0 =	vadd.f32 v0, v5;
	s0 =	sand.u32 $0x3FFFFF80, s11  }
0xf4: {  	v5 =	vadd.f32 v10, v8;
	v8 =	vmul.f32 v12, v14;
	v4 =	vmul.f32 v11, v4;
	[tilespmem:s0+$0xFB10] =	vst v7  }
0xf5: {  	v2 =	vadd.f32 v9, v2;
	v0 =	vmul.f32 v11, v0;
	v7 =	vmul.f32 v17, v14;
	[tilespmem:s0+$0xFB20] =	vst v3;
	v3 =	vpop (erf)  }
0xf6: {  	v6 =	vadd.f32 v8, v6;
	[tilespmem:s0+$0xFB30] =	vst v4;
	v4 =	vmul.f32 v3, v5  }
0xf7: {  	[tilespmem:s0+$0xFB40] =	vst v0;
	v1 =	vadd.f32 v7, v1;
	v0 =	vmul.f32 v3, v2  }
0xf8: {  	v2 =	vmul.f32 v3, v6;
	[tilespmem:s0+$0xFB50] =	vst v4  }
0xf9: {  	[tilespmem:s0+$0xFB60] =	vst v0;
	v0 =	vmul.f32 v3, v1  }
0xfa: {  	[tilespmem:s0+$0xFB70] =	vst v2  }
0xfb: {  	s1 =	simm.s32 @!p0 $0x64;
	s10 =	simm.s32 @!p0 $0x9710;
	[tilespmem:s0+$0xFB80] =	vst v0;
	s0 =	sadd.s32 @!p0 $0x270, s30  }
0xfc: {  	[tilespmem:s10], [sflag:$0x3] =	stream.indirect.gather @!p0 [hbm4b:s2+s1], $0x80, s0, s1, $0xb8;
	[tilespmem:$0x11B10] =	vst v63  }
0xfd: {  	_ =	swait.ge [sflag:s20], $0x3200  }
0xfe: {  	v0 =	vmov s26;
	[sflag:s20] =	ssyncset.done $0x0  }
0xff: {  	s12 =	simm.s32 $0xE240;
	[sflag:s20] =	ssyncadd.s32 $0xFFFFCE00  }
0x100: {  	v1 =	vld [tilespmem:s12+$0xFFFFE6D0]  }
0x101: {  	v2 =	vld [tilespmem:s12+$0xFFFFE6E0]  }
0x102: {  	s13 =	simm.s32 $0x0;
	v3 =	vld [tilespmem:s12+$0xFFFFE6F0]  }
0x103: {  	v4 =	vld.idx.msk [tilespmem:v0+s13+$0x32 ss:$0x1], $0xffff  }
0x104: {  	v5 =	vld.idx.msk [tilespmem:v0+s13+$0x0 ss:$0x1], $0xffff  }
0x105: {  	v6 =	vld [tilespmem:s12+$0xFFFFFFD0]  }
0x106: {  	v7 =	vld [tilespmem:s12+$0xFFFFFFE0]  }
0x107: {  	v8 =	vld [tilespmem:s12+$0xFFFFE700]  }
0x108: {  	v10 =	vld [tilespmem:s12+$0xFFFFFFF0]  }
0x109: {  	s31 =	simm.s32 $0x1;
	v11 =	vld [tilespmem:s12+$0x0];
	(v2sf) =	vpush v4, $0x0  }
0x10a: {  	v17 =	vld.idx.msk [tilespmem:v0+s31+$0x32 ss:$0x1], $0xffff;
	(v2sf) =	vpush v5, $0x0  }
0x10b: {  	s30 =	simm.s32 $0xE2C0;
	v21 =	vld.idx.msk [tilespmem:v0+s31+$0x0 ss:$0x1], $0xffff  }
0x10c: {  	v19 =	vld [tilespmem:s30+$0xFFFFE6D0];
	v12 =	vbroadcast v4, $0x0  }
0x10d: {  	v22 =	vld [tilespmem:s30+$0xFFFFE6E0];
	v13 =	vbroadcast v5, $0x0  }
0x10e: {  	v18 =	vimm.f32 $0.0e+00;
	v9 =	vld [tilespmem:s30+$0xFFFFE6F0];
	v6 =	vmul.f32 v12, v6;
	v15 =	vmul.f32 v7, v12  }
0x10f: {  	v20 =	vld [tilespmem:s30+$0xFFFFFFD0];
	v1 =	vmul.f32 v13, v1;
	v2 =	vmul.f32 v2, v13;
	(v2sf) =	vpush v17, $0x0  }
0x110: {  	v4 =	vmul.f32 v3, v13;
	v5 =	vmul.f32 v8, v13;
	v13 =	vld [tilespmem:s30+$0xFFFFFFE0];
	(v2sf) =	vpush v21, $0x0  }
0x111: {  	v14 =	vld [tilespmem:s30+$0xFFFFE700];
	v8 =	vadd.f32 v6, v18;
	v7 =	vadd.f32 v1, v18;
	v1 =	vmul.f32 v10, v12  }
0x112: {  	v16 =	vld [tilespmem:s30+$0x0];
	v10 =	vmul.f32 v11, v12;
	v3 =	vadd.f32 v2, v18;
	v4 =	vadd.f32 v4, v18  }
0x113: {  	s1 =	simm.s32 $0xE340;
	v12 =	vld [tilespmem:s30+$0xFFFFFFF0];
	v5 =	vadd.f32 v5, v18;
	v2 =	vadd.f32 v15, v18;
	v15 =	vbroadcast v17, $0x0  }
0x114: {  	v11 =	vld [tilespmem:s1+$0xFFFFE6D0];
	v6 =	vadd.f32 v1, v18;
	v1 =	vadd.f32 v10, v18;
	v18 =	vbroadcast v21, $0x0  }
0x115: {  	s29 =	sor.u32 $0x3, s29;
	s11 =	simm.s32 $0xC;
	v10 =	vld [tilespmem:s1+$0xFFFFE6E0];
	v20 =	vmul.f32 v15, v20;
	v17 =	vmul.f32 v13, v15  }
0x116: {  	s0 =	simm.f32 $0.0e+00;
	s10 =	simm.f32 $0.0e+00;
	s12 =	simm.s32 $0x2;
	v13 =	vld [tilespmem:s1+$0xFFFFE6F0];
	v21 =	vmul.f32 v18, v19;
	v19 =	vmul.f32 v22, v18  }
.LBB2_9:
0x117: {  	p1 =	sne.s32 s11, $0xC4;
	v22 =	vld.idx.msk [tilespmem:v0+s12+$0x32 ss:$0x1], $0xffff;
	v9 =	vmul.f32 v9, v18;
	v14 =	vmul.f32 v14, v18;
	v8 =	vadd.f32 v20, v8  }
0x118: {  	v12 =	vmul.f32 v12, v15;
	v20 =	vld.idx.msk [tilespmem:v0+s12+$0x0 ss:$0x1], $0xffff;
	v7 =	vadd.f32 v21, v7;
	v15 =	vmul.f32 v16, v15;
	s12 =	spop (v2sf)  }
0x119: {  	v3 =	vadd.f32 v19, v3;
	v21 =	vld [tilespmem:s1+$0xFFFFFFD0];
	v4 =	vadd.f32 v9, v4;
	s0 =	sadd.f32 s12, s0;
	s12 =	spop (v2sf);
	v19 =	vmov v11  }
0x11a: {  	v2 =	vadd.f32 v17, v2;
	v5 =	vadd.f32 v14, v5;
	v23 =	vld [tilespmem:s1+$0xFFFFFFE0];
	s10 =	sadd.f32 s12, s10;
	v24 =	vmov v10  }
0x11b: {  	v6 =	vadd.f32 v12, v6;
	v1 =	vadd.f32 v15, v1;
	v14 =	vld [tilespmem:s1+$0xFFFFE700];
	v9 =	vmov v13  }
.Ltmp5:
0x11c: {  	v12 =	vld [tilespmem:s1+$0xFFFFFFF0];
	(pc) =	sbr.rel @p1 .LBB2_9-.Ltmp5, $4  }
0x11d: {  	v15 =	vbroadcast v22, $0x0;
	v16 =	vld [tilespmem:s1+$0x0];
	s1 =	sadd.s32 $0x80, s1;
	(v2sf) =	vpush v22, $0x0  }
0x11e: {  	v18 =	vbroadcast v20, $0x0;
	v11 =	vld [tilespmem:s1+$0xFFFFE6D0];
	(v2sf) =	vpush v20, $0x0  }
0x11f: {  	v20 =	vmul.f32 v15, v21;
	v10 =	vld [tilespmem:s1+$0xFFFFE6E0];
	v17 =	vmul.f32 v23, v15  }
0x120: {  	s12 =	sshra.s32 s11, $0x2;
	s11 =	sadd.s32 $0x4, s11;
	v21 =	vmul.f32 v18, v19;
	v19 =	vmul.f32 v24, v18;
	v13 =	vld [tilespmem:s1+$0xFFFFE6F0]  }
0x121: {  	_ =	sdelay $0x3  }
0x122: {  	v22 =	vld.idx.msk [tilespmem:v0+s12+$0x32 ss:$0x1], $0xffff  }
0x123: {  	v45 =	vld.idx.msk [tilespmem:v0+s12+$0x0 ss:$0x1], $0xffff;
	_ =	sdelay $0x3  }
0x124: {  	(v2sf) =	vpush v22, $0x0  }
0x125: {  	(v2sf) =	vpush v45, $0x0;
	_ =	sdelay $0x9  }
0x126: {  	s11 =	spop (v2sf)  }
0x127: {  	s30 =	spop (v2sf)  }
0x128: {  	s10 =	sadd.f32 s30, s10;
	s12 =	spop (v2sf)  }
0x129: {  	s13 =	spop (v2sf)  }
0x12a: {  	s10 =	sadd.f32 s13, s10;
	s31 =	spop (v2sf)  }
0x12b: {  	s0 =	sadd.f32 s11, s0;
	s30 =	spop (v2sf)  }
0x12c: {  	s10 =	sadd.f32 s30, s10;
	_ =	sdelay $0x1  }
0x12d: {  	s0 =	sadd.f32 s12, s0;
	s10 =	smax.f32 s10, $1.000000000e+00  }
0x12e: {  	v23 =	vmov s10  }
0x12f: {  	s0 =	sadd.f32 s31, s0;
	(erf) = vrcp.f32 v23;
	_ =	sdelay $0x1  }
0x130: {  	v9 =	vmul.f32 v9, v18;
	s0 =	smax.f32 s0, $1.000000000e+00  }
0x131: {  	v14 =	vmul.f32 v14, v18;
	v12 =	vmul.f32 v12, v15;
	v46 =	vmov s0  }
0x132: {  	v8 =	vadd.f32 v20, v8;
	v47 =	vld [tilespmem:s1+$0xFFFFE700];
	v0 =	vbroadcast v45, $0x0;
	(erf) = vrcp.f32 v46  }
0x133: {  	v49 =	vld [tilespmem:s1+$0xFFFFFFD0];
	v2 =	vadd.f32 v17, v2;
	v7 =	vadd.f32 v21, v7;
	v48 =	vmul.f32 v16, v15  }
0x134: {  	v50 =	vld [tilespmem:s1+$0xFFFFFFE0];
	v3 =	vadd.f32 v19, v3;
	v4 =	vadd.f32 v9, v4;
	v11 =	vmul.f32 v0, v11  }
0x135: {  	v51 =	vld [tilespmem:s1+$0xFFFFFFF0];
	v5 =	vadd.f32 v14, v5;
	v6 =	vadd.f32 v12, v6;
	v10 =	vmul.f32 v10, v0  }
0x136: {  	v53 =	vld [tilespmem:s1+$0x0];
	v52 =	vbroadcast v22, $0x0;
	v13 =	vmul.f32 v13, v0;
	v7 =	vadd.f32 v11, v7  }
0x137: {  	v1 =	vadd.f32 v48, v1;
	v0 =	vmul.f32 v47, v0;
	v3 =	vadd.f32 v10, v3;
	v54 =	vpop (erf)  }
0x138: {  	v55 =	vmul.f32 v52, v49;
	v4 =	vadd.f32 v13, v4;
	s31 =	sshll.u32 s29, $0x7;
	v7 =	vmul.f32 v54, v7  }
0x139: {  	v9 =	vmul.f32 v50, v52;
	v0 =	vadd.f32 v0, v5;
	s0 =	sand.u32 $0x3FFFFF80, s31;
	v3 =	vmul.f32 v54, v3  }
0x13a: {  	v57 =	vmul.f32 v51, v52;
	v56 =	vadd.f32 v55, v8;
	v4 =	vmul.f32 v54, v4;
	[tilespmem:s0+$0xFB10] =	vst v7  }
0x13b: {  	v58 =	vmul.f32 v53, v52;
	v2 =	vadd.f32 v9, v2;
	v0 =	vmul.f32 v54, v0;
	v59 =	vpop (erf);
	[tilespmem:s0+$0xFB20] =	vst v3  }
0x13c: {  	v6 =	vadd.f32 v57, v6;
	v60 =	vmul.f32 v59, v56;
	[tilespmem:s0+$0xFB30] =	vst v4  }
.Ltmp6:
0x13d: {  	v1 =	vadd.f32 v58, v1;
	v61 =	vmul.f32 v59, v2;
	[tilespmem:s0+$0xFB40] =	vst v0;
	(pc) =	sbr.rel @p0 .LBB2_12-.Ltmp6, $4  }
0x13e: {  	v62 =	vmul.f32 v59, v6;
	[tilespmem:s0+$0xFB50] =	vst v60  }
0x13f: {  	v63 =	vmul.f32 v59, v1;
	[tilespmem:s0+$0xFB60] =	vst v61  }
0x140: {  	[tilespmem:s0+$0xFB70] =	vst v62  }
0x141: {  	[tilespmem:s0+$0xFB80] =	vst v63  }
0x142: {  	s0 =	smul.u32 $0x680, s28  }
.Ltmp7:
0x143: {  	_ = 	snop;
	(pc) =	sbr.rel .LBB2_2-.Ltmp7, $4  }
0x144: {  	s28 =	sadd.s32 $0x1, s28  }
0x145: {  	s23 =	sadd.s32 $0x190, s23;
	s24 =	sadd.s32 $0x190, s24;
	s0 =	sshra.s32 s0, $0x2  }
0x146: {  	s25 =	sadd.s32 $0x190, s25;
	s26 =	sadd.s32 $0x190, s26;
	s0 =	sadd.s32 $0x2D8, s0  }
0x147: {  	[tilespmem:s16], [sflag:$0x4] =	stream.indirect.gather [hbm4b:s2+s9], $0x80, s0, s9, $0xb8;
	[tilespmem:$0x11B10] =	vst v63  }
.LBB2_13:
0x148: {  	_ =	sfence.sel $0x180000  }
0x149: {  	[bflag:$0x0] =	sbarrier.arrive $0xFFFF  }
0x14a: {  	_ =	strace $0x90000047  }
0x14b: {  	s0 =	stileid.u32;
	[bflag:$0x2] =	sbarrier.arrive $0xFFFF  }
0x14c: {  	p0 =	sne.s32 s0, $0x0;
	s0 =	rddreg [dreg:$0x4]  }
0x14d: {  	s0 =	sadd.s32 @!p0 $0x100000, s0  }
0x14e: {  	[sflag:s0] =	ssyncadd.tile.s32 @!p0 $0x1;
	_ =	shalt  }
.Lfunc_end2:
_tile_overlayer_lowered:
.L_overlay_start_2:
0x14f: {  	(tag) =	ssettag $0x2  }
0x150: {  	s0 =	rddreg [dreg:$0x0];
	s2 =	stileid.u32  }
0x151: {  	s1 =	rddreg [dreg:$0x1];
	p0 =	sne.s32 s2, $0x0  }
0x152: {  	s3 =	rddreg [dreg:$0x2];
	[bflag:$0x3] =	sbarrier.arrive $0xFFFF;
	s2 =	simm.s32 @!p0 $0x1C05  }
0x153: {  	[timem:s3], [sflag:s2] =	dma.local @!p0 [hbm:s0], s1  }
0x154: {  	s0 =	simm.s32 @!p0 $0x5  }
0x155: {  	_ =	swait.ge @!p0 [sflag:s0], s1  }
0x156: {  	s1 =	ssub.s32 @!p0 $0x0, s1;
	[sflag:s0] =	ssyncset.done @!p0 $0x0  }
0x157: {  	[sflag:s0] =	ssyncadd.s32 @!p0 s1  }
0x158: {  	[bflag:$0x3] =	sbarrier.arrive $0xFFFF  }
0x159: {  	_ =	shalt  }

</sc_bundles>
